<compile_context>
chip_gen: v7x
topology: tpu7x:2x2x1
jax: 0.10.2.dev20260603
libtpu: 0.0.44.dev20260713+nightly
codegen_flags: <defaults>
</compile_context>

<pallas_src>
import functools

import jax
import jax.numpy as jnp
from jax import lax
from jax.experimental import pallas as pl
from jax.experimental.pallas import tpu as pltpu
from jax.experimental.pallas import tpu_sc as plsc


def _tree_body(depth, B, D, H, R,
               nf_ref, rel_ref, rb_ref, watt_ref, Wfcat_ref,
               Wxcat_ref, Whcat_ref, bcat_ref,
               out_ref):
    f32 = jnp.float32

    def mm(a, b):
        return jnp.dot(a, b, preferred_element_type=f32)

    def gates(zcat, c_sum):
        i_g = jax.nn.sigmoid(zcat[:, :H])
        o_g = jax.nn.sigmoid(zcat[:, H:2 * H])
        u_g = jnp.tanh(zcat[:, 2 * H:])
        c = i_g * u_g + c_sum
        h = o_g * jnp.tanh(c)
        return h, c

    n = 2 ** (depth - 1)
    xf = nf_ref[n - 1:2 * n - 1].reshape(n * B, D)
    h, c = gates(mm(xf, Wxcat_ref[...]) + bcat_ref[...], 0.0)

    watt = watt_ref[...].reshape(1, 1, H)

    for l in range(depth - 2, -1, -1):
        n = 2 ** l
        m = 2 * n
        c0 = 2 * n - 1

        h3 = h.reshape(m, B, H)
        c3 = c.reshape(m, B, H)

        rel = rel_ref[c0:c0 + m]
        rb = rb_ref[c0:c0 + m]
        remb = rb[:, :, :H]
        bfs = rb[:, :, H:]

        s = (jnp.sum(h3 * watt, axis=-1, keepdims=True)
             + jnp.sum(remb * watt, axis=-1, keepdims=True))
        s4 = s.reshape(n, 2, B, 1)
        a = jax.nn.sigmoid(s4[:, 0] - s4[:, 1])
        h4 = h3.reshape(n, 2, B, H)
        h_sum = h4[:, 1] + a * (h4[:, 0] - h4[:, 1])

        fcat = mm(h, Wfcat_ref[...])
        fs = [fcat[:, r * H:(r + 1) * H].reshape(m, B, H) for r in range(R)]
        f = fs[R - 1]
        for r in range(R - 2, -1, -1):
            f = jnp.where(rel == r, fs[r], f)
        f = f + bfs
        fc = (f * c3).reshape(n, 2, B, H)
        c_sum = (fc[:, 0] + fc[:, 1]).reshape(n * B, H)

        xf = nf_ref[n - 1:2 * n - 1].reshape(n * B, D)
        hs = h_sum.reshape(n * B, H)
        h, c = gates(mm(xf, Wxcat_ref[...]) + mm(hs, Whcat_ref[...])
                     + bcat_ref[...], c_sum)

    out_ref[...] = h


def _sc_rel_gather(table, idx, n_pad, width):
    info = plsc.get_sparse_core_info()
    nw = info.num_cores * info.num_subcores
    b_per_w = n_pad // nw
    mesh = plsc.VectorSubcoreMesh(core_axis_name="c", subcore_axis_name="s")

    @functools.partial(
        pl.kernel, mesh=mesh,
        out_type=jax.ShapeDtypeStruct((n_pad, width), jnp.float32),
        scratch_types=[
            pltpu.VMEM((b_per_w,), jnp.int32),
            pltpu.VMEM((b_per_w, width), jnp.float32),
            pltpu.SemaphoreType.DMA,
        ],
    )
    def k(table_hbm, idx_hbm, out_hbm, idx_v, rows_v, sem):
        wid = lax.axis_index("s") * info.num_cores + lax.axis_index("c")
        base = wid * b_per_w
        pltpu.sync_copy(idx_hbm.at[pl.ds(base, b_per_w)], idx_v)
        pltpu.async_copy(table_hbm.at[idx_v], rows_v, sem).wait()
        pltpu.sync_copy(rows_v, out_hbm.at[pl.ds(base, b_per_w)])

    return k(table, idx)


def kernel(node_features, rel_emb, W_att, b_att, W_i, b_i, W_o, b_o,
           W_u, b_u, Wf, bf, W_enc, b_enc, relation_ids):
    B, N, D = node_features.shape
    R, H = rel_emb.shape
    depth = (N + 1).bit_length() - 1

    n_pad = -(-N // 256) * 256
    rel32 = relation_ids.astype(jnp.int32)
    idx = jnp.concatenate([rel32, jnp.zeros((n_pad - N,), jnp.int32)])
    table = jnp.concatenate([rel_emb, bf], axis=1)
    rb = _sc_rel_gather(table, idx, n_pad, 2 * H)
    rb3 = rb.reshape(n_pad, 1, 2 * H)

    nf = jnp.transpose(node_features, (1, 0, 2))
    relH = jnp.broadcast_to(rel32[:, None, None], (N, 1, H))
    watt = W_att.reshape(1, H)
    Wxcat = jnp.concatenate([W_i[:D], W_o[:D], W_u[:D]], axis=1)
    Whcat = jnp.concatenate([W_i[D:], W_o[D:], W_u[D:]], axis=1)
    bcat = jnp.concatenate([b_i, b_o, b_u]).reshape(1, 3 * H)
    Wfcat = jnp.transpose(Wf, (1, 0, 2)).reshape(H, R * H)

    body = functools.partial(_tree_body, depth, B, D, H, R)
    return pl.pallas_call(
        body,
        out_shape=jax.ShapeDtypeStruct((B, H), jnp.float32),
    )(nf, relH, rb3, watt, Wfcat, Wxcat, Whcat, bcat)

# --- scband reference (transcript-rebuilt; emitter-appended) ---
"""Pipeline reference for scband-propagation-tree-encoder-72516227825750 (READ-ONLY COPY).

The authoritative reference and input builder live on the scoring server;
editing this copy changes nothing except your own understanding.
"""

import jax, jax.numpy as jnp
import numpy as np

B, N, D, H, R, DEPTH = 16, 2047, 128, 128, 3, 11


def _xavier(k, shape, fan_in, fan_out):
    lim = float(np.sqrt(6.0 / (fan_in + fan_out)))
    return jax.random.uniform(k, shape, jnp.float32, -lim, lim)


def setup_inputs(seed: int = 0):
    key = jax.random.key(seed)
    ks = jax.random.split(key, 16)
    node_features = jax.random.normal(ks[0], (B, N, D), dtype=jnp.float32)
    relation_ids = jax.random.randint(ks[1], (N,), 0, R)
    rel_emb = _xavier(ks[2], (R, H), R, H)
    W_att = _xavier(ks[3], (H, 1), H, 1)
    b_att = jnp.full((1,), 0.1, jnp.float32)
    W_i = _xavier(ks[4], (D + H, H), D + H, H)
    b_i = jnp.full((H,), 0.1, jnp.float32)
    W_o = _xavier(ks[5], (D + H, H), D + H, H)
    b_o = jnp.full((H,), 0.1, jnp.float32)
    W_u = _xavier(ks[6], (D + H, H), D + H, H)
    b_u = jnp.full((H,), 0.1, jnp.float32)
    Wf = _xavier(ks[7], (R, H, H), H, H)
    bf = jnp.full((R, H), 0.1, jnp.float32)
    W_enc = _xavier(ks[8], (D, H), D, H)
    b_enc = jnp.full((H,), 0.1, jnp.float32)
    return {
        'node_features': node_features,
        'rel_emb': rel_emb,
        'W_att': W_att, 'b_att': b_att,
        'W_i': W_i, 'b_i': b_i,
        'W_o': W_o, 'b_o': b_o,
        'W_u': W_u, 'b_u': b_u,
        'Wf': Wf, 'bf': bf,
        'W_enc': W_enc, 'b_enc': b_enc,
        'relation_ids': relation_ids,
    }


def reference(node_features, rel_emb, W_att, b_att, W_i, b_i, W_o, b_o, W_u, b_u, Wf, bf, W_enc, b_enc, relation_ids):
    # node_encoder (computed as in the original forward; unused for 'root' pooling)
    h_enc = node_features @ W_enc + b_enc
    del h_enc

    h_all = jnp.zeros((B, N, H), jnp.float32)
    c_all = jnp.zeros((B, N, H), jnp.float32)

    # ---- leaves (no children -> child sums are zero) ----
    leaf_idx = jnp.arange(2 ** (DEPTH - 1) - 1, N)
    x = node_features[:, leaf_idx]
    combined = jnp.concatenate([x, jnp.zeros((B, leaf_idx.shape[0], H), jnp.float32)], axis=-1)
    i_g = jax.nn.sigmoid(combined @ W_i + b_i)
    o_g = jax.nn.sigmoid(combined @ W_o + b_o)
    u_g = jnp.tanh(combined @ W_u + b_u)
    c = i_g * u_g
    h = o_g * jnp.tanh(c)
    h_all = h_all.at[:, leaf_idx].set(h)
    c_all = c_all.at[:, leaf_idx].set(c)

    # ---- internal levels, bottom-up ----
    for l in range(DEPTH - 2, -1, -1):
        idx = jnp.arange(2 ** l - 1, 2 ** (l + 1) - 1)
        ch = jnp.stack([2 * idx + 1, 2 * idx + 2], axis=1)  # (n, 2)
        ch_h = h_all[:, ch]   # (B, n, 2, H) gather
        ch_c = c_all[:, ch]   # (B, n, 2, H) gather
        rel = relation_ids[ch]  # (n, 2)
        remb = rel_emb[rel]     # (n, 2, H) embedding gather
        scores = jnp.einsum('bnch,ho->bnco', remb[None, :, :, :] + ch_h, W_att) + b_att
        attn = jax.nn.softmax(scores, axis=2)
        h_sum = jnp.sum(ch_h * attn, axis=2)  # (B, n, H)
        # relation-specific forget transform (no sigmoid, matching the original code)
        f = jnp.einsum('bnch,nchk->bnck', ch_h, Wf[rel]) + bf[rel]
        c_sum = jnp.sum(f * ch_c, axis=2)
        x = node_features[:, idx]
        combined = jnp.concatenate([x, h_sum], axis=-1)
        i_g = jax.nn.sigmoid(combined @ W_i + b_i)
        o_g = jax.nn.sigmoid(combined @ W_o + b_o)
        u_g = jnp.tanh(combined @ W_u + b_u)
        c = i_g * u_g + c_sum
        h = o_g * jnp.tanh(c)
        h_all = h_all.at[:, idx].set(h)
        c_all = c_all.at[:, idx].set(c)

    # pooling == 'root'
    return h_all[:, 0]

if __name__ == "__main__":
    import jax
    _d = setup_inputs()
    print(jax.jit(kernel)(*tuple(_d.values())))

</pallas_src>

<mosaic_0001>
#map = affine_map<(d0, d1) -> (0, 0)>
#map1 = affine_map<(d0, d1) -> (0)>
module attributes {stable_mosaic.version = 14 : i64} {
  func.func @k(%arg0: i32, %arg1: i32, %arg2: memref<3x256xf32, #tpu.memory_space<hbm>>, %arg3: memref<2048xi32, #tpu.memory_space<hbm>>, %arg4: memref<2048x256xf32, #tpu.memory_space<hbm>>, %arg5: memref<64xi32, #tpu.memory_space<vmem>>, %arg6: memref<64x256xf32, #tpu.memory_space<vmem>>, %arg7: memref<!tpu.dma_semaphore, #tpu.memory_space<semaphore_mem>>) attributes {dimension_semantics = [#tpu.dimension_semantics<core_parallel>, #tpu.dimension_semantics<subcore_parallel>], iteration_bounds = array<i64: 2, 16>, scalar_prefetch = 0 : i64, scratch_operands = 3 : i64, tpu.core_type = #tpu.core_type<sc_vector_subcore>, window_params = [{transform_indices = #map}, {transform_indices = #map1}, {transform_indices = #map}]} {
    %mul3A = arith.constant 2 : i32
    %mul3A_0 = arith.muli %arg1, %mul3A : i32
    %add3A = arith.addi %mul3A_0, %arg0 : i32
    %mul3A_1 = arith.constant 64 : i32
    %mul3A_2 = arith.muli %add3A, %mul3A_1 : i32
    "tpu.region"() ({
      %run_scoped3A = tpu.sem_alloc : memref<!tpu.dma_semaphore, #tpu.memory_space<semaphore_mem>>
      %dma_start3A_7 = tpu.memref_slice %arg3[%mul3A_2] : memref<2048xi32, #tpu.memory_space<hbm>> -> memref<64xi32, #tpu.memory_space<hbm>>
      %dma_start3A_8 = tpu.memref_slice %arg3[%mul3A_2] : memref<2048xi32, #tpu.memory_space<hbm>> -> memref<64xi32, #tpu.memory_space<hbm>>
      tpu.enqueue_dma source(%dma_start3A_8 : memref<64xi32, #tpu.memory_space<hbm>>) target(%arg5 : memref<64xi32, #tpu.memory_space<vmem>>) target_semaphore(%run_scoped3A : memref<!tpu.dma_semaphore, #tpu.memory_space<semaphore_mem>>)
      %dma_wait3A_9 = tpu.memref_slice %arg3[%mul3A_2] : memref<2048xi32, #tpu.memory_space<hbm>> -> memref<64xi32, #tpu.memory_space<hbm>>
      %dma_wait3A_10 = tpu.memref_slice %arg3[%mul3A_2] : memref<2048xi32, #tpu.memory_space<hbm>> -> memref<64xi32, #tpu.memory_space<hbm>>
      tpu.wait_dma2 semaphore(%run_scoped3A : memref<!tpu.dma_semaphore, #tpu.memory_space<semaphore_mem>>) src(%dma_wait3A_10 : memref<64xi32, #tpu.memory_space<hbm>>) dst(%arg5 : memref<64xi32, #tpu.memory_space<vmem>>)
      tpu.yield
    }) : () -> ()
    %dma_start3A = arith.constant 0 : i32
    %dma_start3A_3 = arith.constant 0 : i32
    %dma_start3A_4 = tpu.memref_slice %arg2[%dma_start3A, %dma_start3A_3] : memref<3x256xf32, #tpu.memory_space<hbm>> -> memref<3x256xf32, #tpu.memory_space<hbm>>
    tpu.enqueue_indirect_dma source(%dma_start3A_4 : memref<3x256xf32, #tpu.memory_space<hbm>>) target(%arg6 : memref<64x256xf32, #tpu.memory_space<vmem>>) offsets(%arg5 : memref<64xi32, #tpu.memory_space<vmem>>) semaphore(%arg7 : memref<!tpu.dma_semaphore, #tpu.memory_space<semaphore_mem>>)
    %dma_wait3A = arith.constant 0 : i32
    %dma_wait3A_5 = arith.constant 0 : i32
    %dma_wait3A_6 = tpu.memref_slice %arg2[%dma_wait3A, %dma_wait3A_5] : memref<3x256xf32, #tpu.memory_space<hbm>> -> memref<3x256xf32, #tpu.memory_space<hbm>>
    tpu.wait_indirect_dma semaphore(%arg7 : memref<!tpu.dma_semaphore, #tpu.memory_space<semaphore_mem>>) src(%dma_wait3A_6 : memref<3x256xf32, #tpu.memory_space<hbm>>) dst(%arg6 : memref<64x256xf32, #tpu.memory_space<vmem>>)
    "tpu.region"() ({
      %run_scoped3A = tpu.sem_alloc : memref<!tpu.dma_semaphore, #tpu.memory_space<semaphore_mem>>
      %dma_start3A_7 = arith.constant 0 : i32
      %dma_start3A_8 = tpu.memref_slice %arg4[%mul3A_2, %dma_start3A_7] : memref<2048x256xf32, #tpu.memory_space<hbm>> -> memref<64x256xf32, #tpu.memory_space<hbm>>
      %dma_start3A_9 = arith.constant 0 : i32
      %dma_start3A_10 = tpu.memref_slice %arg4[%mul3A_2, %dma_start3A_9] : memref<2048x256xf32, #tpu.memory_space<hbm>> -> memref<64x256xf32, #tpu.memory_space<hbm>>
      tpu.enqueue_dma source(%arg6 : memref<64x256xf32, #tpu.memory_space<vmem>>) target(%dma_start3A_10 : memref<64x256xf32, #tpu.memory_space<hbm>>) target_semaphore(%run_scoped3A : memref<!tpu.dma_semaphore, #tpu.memory_space<semaphore_mem>>)
      %dma_wait3A_11 = arith.constant 0 : i32
      %dma_wait3A_12 = tpu.memref_slice %arg4[%mul3A_2, %dma_wait3A_11] : memref<2048x256xf32, #tpu.memory_space<hbm>> -> memref<64x256xf32, #tpu.memory_space<hbm>>
      %dma_wait3A_13 = arith.constant 0 : i32
      %dma_wait3A_14 = tpu.memref_slice %arg4[%mul3A_2, %dma_wait3A_13] : memref<2048x256xf32, #tpu.memory_space<hbm>> -> memref<64x256xf32, #tpu.memory_space<hbm>>
      tpu.wait_dma2 semaphore(%run_scoped3A : memref<!tpu.dma_semaphore, #tpu.memory_space<semaphore_mem>>) src(%arg6 : memref<64x256xf32, #tpu.memory_space<vmem>>) dst(%dma_wait3A_14 : memref<64x256xf32, #tpu.memory_space<hbm>>)
      tpu.yield
    }) : () -> ()
    return
  }
}

module attributes {stable_mosaic.version = 14 : i64} {
  func.func @_tree_body(%arg0: memref<2047x16x128xf32, #tpu.memory_space<vmem>>, %arg1: memref<2047x1x128xi32, #tpu.memory_space<vmem>>, %arg2: memref<2048x1x256xf32, #tpu.memory_space<vmem>>, %arg3: memref<1x128xf32, #tpu.memory_space<vmem>>, %arg4: memref<128x384xf32, #tpu.memory_space<vmem>>, %arg5: memref<128x384xf32, #tpu.memory_space<vmem>>, %arg6: memref<128x384xf32, #tpu.memory_space<vmem>>, %arg7: memref<1x384xf32, #tpu.memory_space<vmem>>, %arg8: memref<16x128xf32, #tpu.memory_space<vmem>>) attributes {dimension_semantics = [], scalar_prefetch = 0 : i64, scratch_operands = 0 : i64, tpu.core_type = #tpu.core_type<tc>} {
    %get3A = arith.constant 1023 : index
    %get3A_0 = arith.constant 0 : index
    %get3A_1 = arith.constant 0 : index
    %get3A_2 = vector.load %arg0[%get3A, %get3A_0, %get3A_1] : memref<2047x16x128xf32, #tpu.memory_space<vmem>>, vector<1024x16x128xf32>
    %reshape3A = vector.shape_cast %get3A_2 : vector<1024x16x128xf32> to vector<16384x128xf32>
    %get3A_3 = arith.constant 0 : index
    %get3A_4 = arith.constant 0 : index
    %get3A_5 = vector.load %arg5[%get3A_3, %get3A_4] : memref<128x384xf32, #tpu.memory_space<vmem>>, vector<128x384xf32>
    %dot_general3A = arith.constant dense<0.000000e+00> : vector<16384x384xf32>
    %dot_general3A_6 = tpu.matmul %reshape3A, %get3A_5, %dot_general3A {dimension_numbers = #tpu.dot_dimension_numbers<[1], [0], [0], [1], [0, 0, 1, 1], [], []>, transpose_lhs_hint = false} : vector<16384x128xf32>, vector<128x384xf32>, vector<16384x384xf32> -> vector<16384x384xf32>
    %get3A_7 = arith.constant 0 : index
    %get3A_8 = arith.constant 0 : index
    %get3A_9 = vector.load %arg7[%get3A_7, %get3A_8] : memref<1x384xf32, #tpu.memory_space<vmem>>, vector<1x384xf32>
    %add3A = vector.broadcast %get3A_9 : vector<1x384xf32> to vector<16384x384xf32>
    %add3A_10 = arith.addf %dot_general3A_6, %add3A : vector<16384x384xf32>
    %slice3A = vector.extract_strided_slice %add3A_10 {offsets = [0, 0], sizes = [16384, 128], strides = [1, 1]} : vector<16384x384xf32> to vector<16384x128xf32>
    %logistic3A = arith.negf %slice3A : vector<16384x128xf32>
    %logistic3A_11 = math.exp %logistic3A : vector<16384x128xf32>
    %logistic3A_12 = arith.constant 1.000000e+00 : f32
    %logistic3A_13 = vector.broadcast %logistic3A_12 : f32 to vector<16384x128xf32>
    %logistic3A_14 = arith.addf %logistic3A_13, %logistic3A_11 : vector<16384x128xf32>
    %logistic3A_15 = arith.divf %logistic3A_13, %logistic3A_14 : vector<16384x128xf32>
    %slice3A_16 = vector.extract_strided_slice %add3A_10 {offsets = [0, 128], sizes = [16384, 128], strides = [1, 1]} : vector<16384x384xf32> to vector<16384x128xf32>
    %logistic3A_17 = arith.negf %slice3A_16 : vector<16384x128xf32>
    %logistic3A_18 = math.exp %logistic3A_17 : vector<16384x128xf32>
    %logistic3A_19 = arith.constant 1.000000e+00 : f32
    %logistic3A_20 = vector.broadcast %logistic3A_19 : f32 to vector<16384x128xf32>
    %logistic3A_21 = arith.addf %logistic3A_20, %logistic3A_18 : vector<16384x128xf32>
    %logistic3A_22 = arith.divf %logistic3A_20, %logistic3A_21 : vector<16384x128xf32>
    %slice3A_23 = vector.extract_strided_slice %add3A_10 {offsets = [0, 256], sizes = [16384, 128], strides = [1, 1]} : vector<16384x384xf32> to vector<16384x128xf32>
    %tanh3A = math.tanh %slice3A_23 : vector<16384x128xf32>
    %mul3A = arith.mulf %logistic3A_15, %tanh3A : vector<16384x128xf32>
    %add3A_24 = arith.constant 0.000000e+00 : f32
    %add3A_25 = vector.broadcast %add3A_24 : f32 to vector<16384x128xf32>
    %add3A_26 = arith.addf %mul3A, %add3A_25 : vector<16384x128xf32>
    %tanh3A_27 = math.tanh %add3A_26 : vector<16384x128xf32>
    %mul3A_28 = arith.mulf %logistic3A_22, %tanh3A_27 : vector<16384x128xf32>
    %get3A_29 = arith.constant 0 : index
    %get3A_30 = arith.constant 0 : index
    %get3A_31 = vector.load %arg3[%get3A_29, %get3A_30] : memref<1x128xf32, #tpu.memory_space<vmem>>, vector<1x128xf32>
    %reshape3A_32 = vector.shape_cast %get3A_31 : vector<1x128xf32> to vector<1x1x128xf32>
    %reshape3A_33 = vector.shape_cast %mul3A_28 : vector<16384x128xf32> to vector<1024x16x128xf32>
    %reshape3A_34 = vector.shape_cast %add3A_26 : vector<16384x128xf32> to vector<1024x16x128xf32>
    %get3A_35 = arith.constant 1023 : index
    %get3A_36 = arith.constant 0 : index
    %get3A_37 = arith.constant 0 : index
    %get3A_38 = vector.load %arg1[%get3A_35, %get3A_36, %get3A_37] : memref<2047x1x128xi32, #tpu.memory_space<vmem>>, vector<1024x1x128xi32>
    %get3A_39 = arith.constant 1023 : index
    %get3A_40 = arith.constant 0 : index
    %get3A_41 = arith.constant 0 : index
    %get3A_42 = vector.load %arg2[%get3A_39, %get3A_40, %get3A_41] : memref<2048x1x256xf32, #tpu.memory_space<vmem>>, vector<1024x1x256xf32>
    %slice3A_43 = vector.extract_strided_slice %get3A_42 {offsets = [0, 0, 0], sizes = [1024, 1, 128], strides = [1, 1, 1]} : vector<1024x1x256xf32> to vector<1024x1x128xf32>
    %slice3A_44 = vector.extract_strided_slice %get3A_42 {offsets = [0, 0, 128], sizes = [1024, 1, 128], strides = [1, 1, 1]} : vector<1024x1x256xf32> to vector<1024x1x128xf32>
    %mul3A_45 = vector.broadcast %reshape3A_32 : vector<1x1x128xf32> to vector<1024x16x128xf32>
    %mul3A_46 = arith.mulf %reshape3A_33, %mul3A_45 : vector<1024x16x128xf32>
    %reduce_sum3A = arith.constant dense<0.000000e+00> : vector<1024x16xf32>
    %reduce_sum3A_47 = vector.multi_reduction <add>, %mul3A_46, %reduce_sum3A [2] : vector<1024x16x128xf32> to vector<1024x16xf32>
    %broadcast_in_dim3A = vector.shape_cast %reduce_sum3A_47 : vector<1024x16xf32> to vector<1024x16x1xf32>
    %mul3A_48 = vector.broadcast %reshape3A_32 : vector<1x1x128xf32> to vector<1024x1x128xf32>
    %mul3A_49 = arith.mulf %slice3A_43, %mul3A_48 : vector<1024x1x128xf32>
    %reduce_sum3A_50 = arith.constant dense<0.000000e+00> : vector<1024x1xf32>
    %reduce_sum3A_51 = vector.multi_reduction <add>, %mul3A_49, %reduce_sum3A_50 [2] : vector<1024x1x128xf32> to vector<1024x1xf32>
    %broadcast_in_dim3A_52 = vector.shape_cast %reduce_sum3A_51 : vector<1024x1xf32> to vector<1024x1x1xf32>
    %add3A_53 = vector.broadcast %broadcast_in_dim3A_52 : vector<1024x1x1xf32> to vector<1024x16x1xf32>
    %add3A_54 = arith.addf %broadcast_in_dim3A, %add3A_53 : vector<1024x16x1xf32>
    %reshape3A_55 = vector.shape_cast %add3A_54 : vector<1024x16x1xf32> to vector<512x2x16x1xf32>
    %slice3A_56 = vector.extract_strided_slice %reshape3A_55 {offsets = [0, 0, 0, 0], sizes = [512, 1, 16, 1], strides = [1, 1, 1, 1]} : vector<512x2x16x1xf32> to vector<512x1x16x1xf32>
    %squeeze3A = vector.shape_cast %slice3A_56 : vector<512x1x16x1xf32> to vector<512x16x1xf32>
    %slice3A_57 = vector.extract_strided_slice %reshape3A_55 {offsets = [0, 1, 0, 0], sizes = [512, 1, 16, 1], strides = [1, 1, 1, 1]} : vector<512x2x16x1xf32> to vector<512x1x16x1xf32>
    %squeeze3A_58 = vector.shape_cast %slice3A_57 : vector<512x1x16x1xf32> to vector<512x16x1xf32>
    %sub3A = arith.subf %squeeze3A, %squeeze3A_58 : vector<512x16x1xf32>
    %logistic3A_59 = arith.negf %sub3A : vector<512x16x1xf32>
    %logistic3A_60 = math.exp %logistic3A_59 : vector<512x16x1xf32>
    %logistic3A_61 = arith.constant 1.000000e+00 : f32
    %logistic3A_62 = vector.broadcast %logistic3A_61 : f32 to vector<512x16x1xf32>
    %logistic3A_63 = arith.addf %logistic3A_62, %logistic3A_60 : vector<512x16x1xf32>
    %logistic3A_64 = arith.divf %logistic3A_62, %logistic3A_63 : vector<512x16x1xf32>
    %reshape3A_65 = vector.shape_cast %reshape3A_33 : vector<1024x16x128xf32> to vector<512x2x16x128xf32>
    %slice3A_66 = vector.extract_strided_slice %reshape3A_65 {offsets = [0, 1, 0, 0], sizes = [512, 1, 16, 128], strides = [1, 1, 1, 1]} : vector<512x2x16x128xf32> to vector<512x1x16x128xf32>
    %squeeze3A_67 = vector.shape_cast %slice3A_66 : vector<512x1x16x128xf32> to vector<512x16x128xf32>
    %slice3A_68 = vector.extract_strided_slice %reshape3A_65 {offsets = [0, 0, 0, 0], sizes = [512, 1, 16, 128], strides = [1, 1, 1, 1]} : vector<512x2x16x128xf32> to vector<512x1x16x128xf32>
    %squeeze3A_69 = vector.shape_cast %slice3A_68 : vector<512x1x16x128xf32> to vector<512x16x128xf32>
    %slice3A_70 = vector.extract_strided_slice %reshape3A_65 {offsets = [0, 1, 0, 0], sizes = [512, 1, 16, 128], strides = [1, 1, 1, 1]} : vector<512x2x16x128xf32> to vector<512x1x16x128xf32>
    %squeeze3A_71 = vector.shape_cast %slice3A_70 : vector<512x1x16x128xf32> to vector<512x16x128xf32>
    %sub3A_72 = arith.subf %squeeze3A_69, %squeeze3A_71 : vector<512x16x128xf32>
    %mul3A_73 = vector.broadcast %logistic3A_64 : vector<512x16x1xf32> to vector<512x16x128xf32>
    %mul3A_74 = arith.mulf %mul3A_73, %sub3A_72 : vector<512x16x128xf32>
    %add3A_75 = arith.addf %squeeze3A_67, %mul3A_74 : vector<512x16x128xf32>
    %get3A_76 = arith.constant 0 : index
    %get3A_77 = arith.constant 0 : index
    %get3A_78 = vector.load %arg4[%get3A_76, %get3A_77] : memref<128x384xf32, #tpu.memory_space<vmem>>, vector<128x384xf32>
    %dot_general3A_79 = arith.constant dense<0.000000e+00> : vector<16384x384xf32>
    %dot_general3A_80 = tpu.matmul %mul3A_28, %get3A_78, %dot_general3A_79 {dimension_numbers = #tpu.dot_dimension_numbers<[1], [0], [0], [1], [0, 0, 1, 1], [], []>, transpose_lhs_hint = false} : vector<16384x128xf32>, vector<128x384xf32>, vector<16384x384xf32> -> vector<16384x384xf32>
    %slice3A_81 = vector.extract_strided_slice %dot_general3A_80 {offsets = [0, 0], sizes = [16384, 128], strides = [1, 1]} : vector<16384x384xf32> to vector<16384x128xf32>
    %reshape3A_82 = vector.shape_cast %slice3A_81 : vector<16384x128xf32> to vector<1024x16x128xf32>
    %slice3A_83 = vector.extract_strided_slice %dot_general3A_80 {offsets = [0, 128], sizes = [16384, 128], strides = [1, 1]} : vector<16384x384xf32> to vector<16384x128xf32>
    %reshape3A_84 = vector.shape_cast %slice3A_83 : vector<16384x128xf32> to vector<1024x16x128xf32>
    %slice3A_85 = vector.extract_strided_slice %dot_general3A_80 {offsets = [0, 256], sizes = [16384, 128], strides = [1, 1]} : vector<16384x384xf32> to vector<16384x128xf32>
    %reshape3A_86 = vector.shape_cast %slice3A_85 : vector<16384x128xf32> to vector<1024x16x128xf32>
    %eq3A = arith.constant 1 : i32
    %eq3A_87 = vector.broadcast %eq3A : i32 to vector<1024x1x128xi32>
    %eq3A_88 = arith.cmpi eq, %get3A_38, %eq3A_87 : vector<1024x1x128xi32>
    %broadcast_in_dim3A_89 = vector.shape_cast %eq3A_88 : vector<1024x1x128xi1> to vector<1024x1x128xi1>
    %broadcast_in_dim3A_90 = vector.broadcast %broadcast_in_dim3A_89 : vector<1024x1x128xi1> to vector<1024x16x128xi1>
    %select_n3A = arith.select %broadcast_in_dim3A_90, %reshape3A_84, %reshape3A_86 : vector<1024x16x128xi1>, vector<1024x16x128xf32>
    %eq3A_91 = arith.constant 0 : i32
    %eq3A_92 = vector.broadcast %eq3A_91 : i32 to vector<1024x1x128xi32>
    %eq3A_93 = arith.cmpi eq, %get3A_38, %eq3A_92 : vector<1024x1x128xi32>
    %broadcast_in_dim3A_94 = vector.shape_cast %eq3A_93 : vector<1024x1x128xi1> to vector<1024x1x128xi1>
    %broadcast_in_dim3A_95 = vector.broadcast %broadcast_in_dim3A_94 : vector<1024x1x128xi1> to vector<1024x16x128xi1>
    %select_n3A_96 = arith.select %broadcast_in_dim3A_95, %reshape3A_82, %select_n3A : vector<1024x16x128xi1>, vector<1024x16x128xf32>
    %add3A_97 = vector.broadcast %slice3A_44 : vector<1024x1x128xf32> to vector<1024x16x128xf32>
    %add3A_98 = arith.addf %select_n3A_96, %add3A_97 : vector<1024x16x128xf32>
    %mul3A_99 = arith.mulf %add3A_98, %reshape3A_34 : vector<1024x16x128xf32>
    %reshape3A_100 = vector.shape_cast %mul3A_99 : vector<1024x16x128xf32> to vector<512x2x16x128xf32>
    %slice3A_101 = vector.extract_strided_slice %reshape3A_100 {offsets = [0, 0, 0, 0], sizes = [512, 1, 16, 128], strides = [1, 1, 1, 1]} : vector<512x2x16x128xf32> to vector<512x1x16x128xf32>
    %squeeze3A_102 = vector.shape_cast %slice3A_101 : vector<512x1x16x128xf32> to vector<512x16x128xf32>
    %slice3A_103 = vector.extract_strided_slice %reshape3A_100 {offsets = [0, 1, 0, 0], sizes = [512, 1, 16, 128], strides = [1, 1, 1, 1]} : vector<512x2x16x128xf32> to vector<512x1x16x128xf32>
    %squeeze3A_104 = vector.shape_cast %slice3A_103 : vector<512x1x16x128xf32> to vector<512x16x128xf32>
    %add3A_105 = arith.addf %squeeze3A_102, %squeeze3A_104 : vector<512x16x128xf32>
    %reshape3A_106 = vector.shape_cast %add3A_105 : vector<512x16x128xf32> to vector<8192x128xf32>
    %get3A_107 = arith.constant 511 : index
    %get3A_108 = arith.constant 0 : index
    %get3A_109 = arith.constant 0 : index
    %get3A_110 = vector.load %arg0[%get3A_107, %get3A_108, %get3A_109] : memref<2047x16x128xf32, #tpu.memory_space<vmem>>, vector<512x16x128xf32>
    %reshape3A_111 = vector.shape_cast %get3A_110 : vector<512x16x128xf32> to vector<8192x128xf32>
    %reshape3A_112 = vector.shape_cast %add3A_75 : vector<512x16x128xf32> to vector<8192x128xf32>
    %get3A_113 = arith.constant 0 : index
    %get3A_114 = arith.constant 0 : index
    %get3A_115 = vector.load %arg5[%get3A_113, %get3A_114] : memref<128x384xf32, #tpu.memory_space<vmem>>, vector<128x384xf32>
    %dot_general3A_116 = arith.constant dense<0.000000e+00> : vector<8192x384xf32>
    %dot_general3A_117 = tpu.matmul %reshape3A_111, %get3A_115, %dot_general3A_116 {dimension_numbers = #tpu.dot_dimension_numbers<[1], [0], [0], [1], [0, 0, 1, 1], [], []>, transpose_lhs_hint = false} : vector<8192x128xf32>, vector<128x384xf32>, vector<8192x384xf32> -> vector<8192x384xf32>
    %get3A_118 = arith.constant 0 : index
    %get3A_119 = arith.constant 0 : index
    %get3A_120 = vector.load %arg6[%get3A_118, %get3A_119] : memref<128x384xf32, #tpu.memory_space<vmem>>, vector<128x384xf32>
    %dot_general3A_121 = arith.constant dense<0.000000e+00> : vector<8192x384xf32>
    %dot_general3A_122 = tpu.matmul %reshape3A_112, %get3A_120, %dot_general3A_121 {dimension_numbers = #tpu.dot_dimension_numbers<[1], [0], [0], [1], [0, 0, 1, 1], [], []>, transpose_lhs_hint = false} : vector<8192x128xf32>, vector<128x384xf32>, vector<8192x384xf32> -> vector<8192x384xf32>
    %add3A_123 = arith.addf %dot_general3A_117, %dot_general3A_122 : vector<8192x384xf32>
    %get3A_124 = arith.constant 0 : index
    %get3A_125 = arith.constant 0 : index
    %get3A_126 = vector.load %arg7[%get3A_124, %get3A_125] : memref<1x384xf32, #tpu.memory_space<vmem>>, vector<1x384xf32>
    %add3A_127 = vector.broadcast %get3A_126 : vector<1x384xf32> to vector<8192x384xf32>
    %add3A_128 = arith.addf %add3A_123, %add3A_127 : vector<8192x384xf32>
    %slice3A_129 = vector.extract_strided_slice %add3A_128 {offsets = [0, 0], sizes = [8192, 128], strides = [1, 1]} : vector<8192x384xf32> to vector<8192x128xf32>
    %logistic3A_130 = arith.negf %slice3A_129 : vector<8192x128xf32>
    %logistic3A_131 = math.exp %logistic3A_130 : vector<8192x128xf32>
    %logistic3A_132 = arith.constant 1.000000e+00 : f32
    %logistic3A_133 = vector.broadcast %logistic3A_132 : f32 to vector<8192x128xf32>
    %logistic3A_134 = arith.addf %logistic3A_133, %logistic3A_131 : vector<8192x128xf32>
    %logistic3A_135 = arith.divf %logistic3A_133, %logistic3A_134 : vector<8192x128xf32>
    %slice3A_136 = vector.extract_strided_slice %add3A_128 {offsets = [0, 128], sizes = [8192, 128], strides = [1, 1]} : vector<8192x384xf32> to vector<8192x128xf32>
    %logistic3A_137 = arith.negf %slice3A_136 : vector<8192x128xf32>
    %logistic3A_138 = math.exp %logistic3A_137 : vector<8192x128xf32>
    %logistic3A_139 = arith.constant 1.000000e+00 : f32
    %logistic3A_140 = vector.broadcast %logistic3A_139 : f32 to vector<8192x128xf32>
    %logistic3A_141 = arith.addf %logistic3A_140, %logistic3A_138 : vector<8192x128xf32>
    %logistic3A_142 = arith.divf %logistic3A_140, %logistic3A_141 : vector<8192x128xf32>
    %slice3A_143 = vector.extract_strided_slice %add3A_128 {offsets = [0, 256], sizes = [8192, 128], strides = [1, 1]} : vector<8192x384xf32> to vector<8192x128xf32>
    %tanh3A_144 = math.tanh %slice3A_143 : vector<8192x128xf32>
    %mul3A_145 = arith.mulf %logistic3A_135, %tanh3A_144 : vector<8192x128xf32>
    %add3A_146 = arith.addf %mul3A_145, %reshape3A_106 : vector<8192x128xf32>
    %tanh3A_147 = math.tanh %add3A_146 : vector<8192x128xf32>
    %mul3A_148 = arith.mulf %logistic3A_142, %tanh3A_147 : vector<8192x128xf32>
    %reshape3A_149 = vector.shape_cast %mul3A_148 : vector<8192x128xf32> to vector<512x16x128xf32>
    %reshape3A_150 = vector.shape_cast %add3A_146 : vector<8192x128xf32> to vector<512x16x128xf32>
    %get3A_151 = arith.constant 511 : index
    %get3A_152 = arith.constant 0 : index
    %get3A_153 = arith.constant 0 : index
    %get3A_154 = vector.load %arg1[%get3A_151, %get3A_152, %get3A_153] : memref<2047x1x128xi32, #tpu.memory_space<vmem>>, vector<512x1x128xi32>
    %get3A_155 = arith.constant 511 : index
    %get3A_156 = arith.constant 0 : index
    %get3A_157 = arith.constant 0 : index
    %get3A_158 = vector.load %arg2[%get3A_155, %get3A_156, %get3A_157] : memref<2048x1x256xf32, #tpu.memory_space<vmem>>, vector<512x1x256xf32>
    %slice3A_159 = vector.extract_strided_slice %get3A_158 {offsets = [0, 0, 0], sizes = [512, 1, 128], strides = [1, 1, 1]} : vector<512x1x256xf32> to vector<512x1x128xf32>
    %slice3A_160 = vector.extract_strided_slice %get3A_158 {offsets = [0, 0, 128], sizes = [512, 1, 128], strides = [1, 1, 1]} : vector<512x1x256xf32> to vector<512x1x128xf32>
    %mul3A_161 = vector.broadcast %reshape3A_32 : vector<1x1x128xf32> to vector<512x16x128xf32>
    %mul3A_162 = arith.mulf %reshape3A_149, %mul3A_161 : vector<512x16x128xf32>
    %reduce_sum3A_163 = arith.constant dense<0.000000e+00> : vector<512x16xf32>
    %reduce_sum3A_164 = vector.multi_reduction <add>, %mul3A_162, %reduce_sum3A_163 [2] : vector<512x16x128xf32> to vector<512x16xf32>
    %broadcast_in_dim3A_165 = vector.shape_cast %reduce_sum3A_164 : vector<512x16xf32> to vector<512x16x1xf32>
    %mul3A_166 = vector.broadcast %reshape3A_32 : vector<1x1x128xf32> to vector<512x1x128xf32>
    %mul3A_167 = arith.mulf %slice3A_159, %mul3A_166 : vector<512x1x128xf32>
    %reduce_sum3A_168 = arith.constant dense<0.000000e+00> : vector<512x1xf32>
    %reduce_sum3A_169 = vector.multi_reduction <add>, %mul3A_167, %reduce_sum3A_168 [2] : vector<512x1x128xf32> to vector<512x1xf32>
    %broadcast_in_dim3A_170 = vector.shape_cast %reduce_sum3A_169 : vector<512x1xf32> to vector<512x1x1xf32>
    %add3A_171 = vector.broadcast %broadcast_in_dim3A_170 : vector<512x1x1xf32> to vector<512x16x1xf32>
    %add3A_172 = arith.addf %broadcast_in_dim3A_165, %add3A_171 : vector<512x16x1xf32>
    %reshape3A_173 = vector.shape_cast %add3A_172 : vector<512x16x1xf32> to vector<256x2x16x1xf32>
    %slice3A_174 = vector.extract_strided_slice %reshape3A_173 {offsets = [0, 0, 0, 0], sizes = [256, 1, 16, 1], strides = [1, 1, 1, 1]} : vector<256x2x16x1xf32> to vector<256x1x16x1xf32>
    %squeeze3A_175 = vector.shape_cast %slice3A_174 : vector<256x1x16x1xf32> to vector<256x16x1xf32>
    %slice3A_176 = vector.extract_strided_slice %reshape3A_173 {offsets = [0, 1, 0, 0], sizes = [256, 1, 16, 1], strides = [1, 1, 1, 1]} : vector<256x2x16x1xf32> to vector<256x1x16x1xf32>
    %squeeze3A_177 = vector.shape_cast %slice3A_176 : vector<256x1x16x1xf32> to vector<256x16x1xf32>
    %sub3A_178 = arith.subf %squeeze3A_175, %squeeze3A_177 : vector<256x16x1xf32>
    %logistic3A_179 = arith.negf %sub3A_178 : vector<256x16x1xf32>
    %logistic3A_180 = math.exp %logistic3A_179 : vector<256x16x1xf32>
    %logistic3A_181 = arith.constant 1.000000e+00 : f32
    %logistic3A_182 = vector.broadcast %logistic3A_181 : f32 to vector<256x16x1xf32>
    %logistic3A_183 = arith.addf %logistic3A_182, %logistic3A_180 : vector<256x16x1xf32>
    %logistic3A_184 = arith.divf %logistic3A_182, %logistic3A_183 : vector<256x16x1xf32>
    %reshape3A_185 = vector.shape_cast %reshape3A_149 : vector<512x16x128xf32> to vector<256x2x16x128xf32>
    %slice3A_186 = vector.extract_strided_slice %reshape3A_185 {offsets = [0, 1, 0, 0], sizes = [256, 1, 16, 128], strides = [1, 1, 1, 1]} : vector<256x2x16x128xf32> to vector<256x1x16x128xf32>
    %squeeze3A_187 = vector.shape_cast %slice3A_186 : vector<256x1x16x128xf32> to vector<256x16x128xf32>
    %slice3A_188 = vector.extract_strided_slice %reshape3A_185 {offsets = [0, 0, 0, 0], sizes = [256, 1, 16, 128], strides = [1, 1, 1, 1]} : vector<256x2x16x128xf32> to vector<256x1x16x128xf32>
    %squeeze3A_189 = vector.shape_cast %slice3A_188 : vector<256x1x16x128xf32> to vector<256x16x128xf32>
    %slice3A_190 = vector.extract_strided_slice %reshape3A_185 {offsets = [0, 1, 0, 0], sizes = [256, 1, 16, 128], strides = [1, 1, 1, 1]} : vector<256x2x16x128xf32> to vector<256x1x16x128xf32>
    %squeeze3A_191 = vector.shape_cast %slice3A_190 : vector<256x1x16x128xf32> to vector<256x16x128xf32>
    %sub3A_192 = arith.subf %squeeze3A_189, %squeeze3A_191 : vector<256x16x128xf32>
    %mul3A_193 = vector.broadcast %logistic3A_184 : vector<256x16x1xf32> to vector<256x16x128xf32>
    %mul3A_194 = arith.mulf %mul3A_193, %sub3A_192 : vector<256x16x128xf32>
    %add3A_195 = arith.addf %squeeze3A_187, %mul3A_194 : vector<256x16x128xf32>
    %get3A_196 = arith.constant 0 : index
    %get3A_197 = arith.constant 0 : index
    %get3A_198 = vector.load %arg4[%get3A_196, %get3A_197] : memref<128x384xf32, #tpu.memory_space<vmem>>, vector<128x384xf32>
    %dot_general3A_199 = arith.constant dense<0.000000e+00> : vector<8192x384xf32>
    %dot_general3A_200 = tpu.matmul %mul3A_148, %get3A_198, %dot_general3A_199 {dimension_numbers = #tpu.dot_dimension_numbers<[1], [0], [0], [1], [0, 0, 1, 1], [], []>, transpose_lhs_hint = false} : vector<8192x128xf32>, vector<128x384xf32>, vector<8192x384xf32> -> vector<8192x384xf32>
    %slice3A_201 = vector.extract_strided_slice %dot_general3A_200 {offsets = [0, 0], sizes = [8192, 128], strides = [1, 1]} : vector<8192x384xf32> to vector<8192x128xf32>
    %reshape3A_202 = vector.shape_cast %slice3A_201 : vector<8192x128xf32> to vector<512x16x128xf32>
    %slice3A_203 = vector.extract_strided_slice %dot_general3A_200 {offsets = [0, 128], sizes = [8192, 128], strides = [1, 1]} : vector<8192x384xf32> to vector<8192x128xf32>
    %reshape3A_204 = vector.shape_cast %slice3A_203 : vector<8192x128xf32> to vector<512x16x128xf32>
    %slice3A_205 = vector.extract_strided_slice %dot_general3A_200 {offsets = [0, 256], sizes = [8192, 128], strides = [1, 1]} : vector<8192x384xf32> to vector<8192x128xf32>
    %reshape3A_206 = vector.shape_cast %slice3A_205 : vector<8192x128xf32> to vector<512x16x128xf32>
    %eq3A_207 = arith.constant 1 : i32
    %eq3A_208 = vector.broadcast %eq3A_207 : i32 to vector<512x1x128xi32>
    %eq3A_209 = arith.cmpi eq, %get3A_154, %eq3A_208 : vector<512x1x128xi32>
    %broadcast_in_dim3A_210 = vector.shape_cast %eq3A_209 : vector<512x1x128xi1> to vector<512x1x128xi1>
    %broadcast_in_dim3A_211 = vector.broadcast %broadcast_in_dim3A_210 : vector<512x1x128xi1> to vector<512x16x128xi1>
    %select_n3A_212 = arith.select %broadcast_in_dim3A_211, %reshape3A_204, %reshape3A_206 : vector<512x16x128xi1>, vector<512x16x128xf32>
    %eq3A_213 = arith.constant 0 : i32
    %eq3A_214 = vector.broadcast %eq3A_213 : i32 to vector<512x1x128xi32>
    %eq3A_215 = arith.cmpi eq, %get3A_154, %eq3A_214 : vector<512x1x128xi32>
    %broadcast_in_dim3A_216 = vector.shape_cast %eq3A_215 : vector<512x1x128xi1> to vector<512x1x128xi1>
    %broadcast_in_dim3A_217 = vector.broadcast %broadcast_in_dim3A_216 : vector<512x1x128xi1> to vector<512x16x128xi1>
    %select_n3A_218 = arith.select %broadcast_in_dim3A_217, %reshape3A_202, %select_n3A_212 : vector<512x16x128xi1>, vector<512x16x128xf32>
    %add3A_219 = vector.broadcast %slice3A_160 : vector<512x1x128xf32> to vector<512x16x128xf32>
    %add3A_220 = arith.addf %select_n3A_218, %add3A_219 : vector<512x16x128xf32>
    %mul3A_221 = arith.mulf %add3A_220, %reshape3A_150 : vector<512x16x128xf32>
    %reshape3A_222 = vector.shape_cast %mul3A_221 : vector<512x16x128xf32> to vector<256x2x16x128xf32>
    %slice3A_223 = vector.extract_strided_slice %reshape3A_222 {offsets = [0, 0, 0, 0], sizes = [256, 1, 16, 128], strides = [1, 1, 1, 1]} : vector<256x2x16x128xf32> to vector<256x1x16x128xf32>
    %squeeze3A_224 = vector.shape_cast %slice3A_223 : vector<256x1x16x128xf32> to vector<256x16x128xf32>
    %slice3A_225 = vector.extract_strided_slice %reshape3A_222 {offsets = [0, 1, 0, 0], sizes = [256, 1, 16, 128], strides = [1, 1, 1, 1]} : vector<256x2x16x128xf32> to vector<256x1x16x128xf32>
    %squeeze3A_226 = vector.shape_cast %slice3A_225 : vector<256x1x16x128xf32> to vector<256x16x128xf32>
    %add3A_227 = arith.addf %squeeze3A_224, %squeeze3A_226 : vector<256x16x128xf32>
    %reshape3A_228 = vector.shape_cast %add3A_227 : vector<256x16x128xf32> to vector<4096x128xf32>
    %get3A_229 = arith.constant 255 : index
    %get3A_230 = arith.constant 0 : index
    %get3A_231 = arith.constant 0 : index
    %get3A_232 = vector.load %arg0[%get3A_229, %get3A_230, %get3A_231] : memref<2047x16x128xf32, #tpu.memory_space<vmem>>, vector<256x16x128xf32>
    %reshape3A_233 = vector.shape_cast %get3A_232 : vector<256x16x128xf32> to vector<4096x128xf32>
    %reshape3A_234 = vector.shape_cast %add3A_195 : vector<256x16x128xf32> to vector<4096x128xf32>
    %get3A_235 = arith.constant 0 : index
    %get3A_236 = arith.constant 0 : index
    %get3A_237 = vector.load %arg5[%get3A_235, %get3A_236] : memref<128x384xf32, #tpu.memory_space<vmem>>, vector<128x384xf32>
    %dot_general3A_238 = arith.constant dense<0.000000e+00> : vector<4096x384xf32>
    %dot_general3A_239 = tpu.matmul %reshape3A_233, %get3A_237, %dot_general3A_238 {dimension_numbers = #tpu.dot_dimension_numbers<[1], [0], [0], [1], [0, 0, 1, 1], [], []>, transpose_lhs_hint = false} : vector<4096x128xf32>, vector<128x384xf32>, vector<4096x384xf32> -> vector<4096x384xf32>
    %get3A_240 = arith.constant 0 : index
    %get3A_241 = arith.constant 0 : index
    %get3A_242 = vector.load %arg6[%get3A_240, %get3A_241] : memref<128x384xf32, #tpu.memory_space<vmem>>, vector<128x384xf32>
    %dot_general3A_243 = arith.constant dense<0.000000e+00> : vector<4096x384xf32>
    %dot_general3A_244 = tpu.matmul %reshape3A_234, %get3A_242, %dot_general3A_243 {dimension_numbers = #tpu.dot_dimension_numbers<[1], [0], [0], [1], [0, 0, 1, 1], [], []>, transpose_lhs_hint = false} : vector<4096x128xf32>, vector<128x384xf32>, vector<4096x384xf32> -> vector<4096x384xf32>
    %add3A_245 = arith.addf %dot_general3A_239, %dot_general3A_244 : vector<4096x384xf32>
    %get3A_246 = arith.constant 0 : index
    %get3A_247 = arith.constant 0 : index
    %get3A_248 = vector.load %arg7[%get3A_246, %get3A_247] : memref<1x384xf32, #tpu.memory_space<vmem>>, vector<1x384xf32>
    %add3A_249 = vector.broadcast %get3A_248 : vector<1x384xf32> to vector<4096x384xf32>
    %add3A_250 = arith.addf %add3A_245, %add3A_249 : vector<4096x384xf32>
    %slice3A_251 = vector.extract_strided_slice %add3A_250 {offsets = [0, 0], sizes = [4096, 128], strides = [1, 1]} : vector<4096x384xf32> to vector<4096x128xf32>
    %logistic3A_252 = arith.negf %slice3A_251 : vector<4096x128xf32>
    %logistic3A_253 = math.exp %logistic3A_252 : vector<4096x128xf32>
    %logistic3A_254 = arith.constant 1.000000e+00 : f32
    %logistic3A_255 = vector.broadcast %logistic3A_254 : f32 to vector<4096x128xf32>
    %logistic3A_256 = arith.addf %logistic3A_255, %logistic3A_253 : vector<4096x128xf32>
    %logistic3A_257 = arith.divf %logistic3A_255, %logistic3A_256 : vector<4096x128xf32>
    %slice3A_258 = vector.extract_strided_slice %add3A_250 {offsets = [0, 128], sizes = [4096, 128], strides = [1, 1]} : vector<4096x384xf32> to vector<4096x128xf32>
    %logistic3A_259 = arith.negf %slice3A_258 : vector<4096x128xf32>
    %logistic3A_260 = math.exp %logistic3A_259 : vector<4096x128xf32>
    %logistic3A_261 = arith.constant 1.000000e+00 : f32
    %logistic3A_262 = vector.broadcast %logistic3A_261 : f32 to vector<4096x128xf32>
    %logistic3A_263 = arith.addf %logistic3A_262, %logistic3A_260 : vector<4096x128xf32>
    %logistic3A_264 = arith.divf %logistic3A_262, %logistic3A_263 : vector<4096x128xf32>
    %slice3A_265 = vector.extract_strided_slice %add3A_250 {offsets = [0, 256], sizes = [4096, 128], strides = [1, 1]} : vector<4096x384xf32> to vector<4096x128xf32>
    %tanh3A_266 = math.tanh %slice3A_265 : vector<4096x128xf32>
    %mul3A_267 = arith.mulf %logistic3A_257, %tanh3A_266 : vector<4096x128xf32>
    %add3A_268 = arith.addf %mul3A_267, %reshape3A_228 : vector<4096x128xf32>
    %tanh3A_269 = math.tanh %add3A_268 : vector<4096x128xf32>
    %mul3A_270 = arith.mulf %logistic3A_264, %tanh3A_269 : vector<4096x128xf32>
    %reshape3A_271 = vector.shape_cast %mul3A_270 : vector<4096x128xf32> to vector<256x16x128xf32>
    %reshape3A_272 = vector.shape_cast %add3A_268 : vector<4096x128xf32> to vector<256x16x128xf32>
    %get3A_273 = arith.constant 255 : index
    %get3A_274 = arith.constant 0 : index
    %get3A_275 = arith.constant 0 : index
    %get3A_276 = vector.load %arg1[%get3A_273, %get3A_274, %get3A_275] : memref<2047x1x128xi32, #tpu.memory_space<vmem>>, vector<256x1x128xi32>
    %get3A_277 = arith.constant 255 : index
    %get3A_278 = arith.constant 0 : index
    %get3A_279 = arith.constant 0 : index
    %get3A_280 = vector.load %arg2[%get3A_277, %get3A_278, %get3A_279] : memref<2048x1x256xf32, #tpu.memory_space<vmem>>, vector<256x1x256xf32>
    %slice3A_281 = vector.extract_strided_slice %get3A_280 {offsets = [0, 0, 0], sizes = [256, 1, 128], strides = [1, 1, 1]} : vector<256x1x256xf32> to vector<256x1x128xf32>
    %slice3A_282 = vector.extract_strided_slice %get3A_280 {offsets = [0, 0, 128], sizes = [256, 1, 128], strides = [1, 1, 1]} : vector<256x1x256xf32> to vector<256x1x128xf32>
    %mul3A_283 = vector.broadcast %reshape3A_32 : vector<1x1x128xf32> to vector<256x16x128xf32>
    %mul3A_284 = arith.mulf %reshape3A_271, %mul3A_283 : vector<256x16x128xf32>
    %reduce_sum3A_285 = arith.constant dense<0.000000e+00> : vector<256x16xf32>
    %reduce_sum3A_286 = vector.multi_reduction <add>, %mul3A_284, %reduce_sum3A_285 [2] : vector<256x16x128xf32> to vector<256x16xf32>
    %broadcast_in_dim3A_287 = vector.shape_cast %reduce_sum3A_286 : vector<256x16xf32> to vector<256x16x1xf32>
    %mul3A_288 = vector.broadcast %reshape3A_32 : vector<1x1x128xf32> to vector<256x1x128xf32>
    %mul3A_289 = arith.mulf %slice3A_281, %mul3A_288 : vector<256x1x128xf32>
    %reduce_sum3A_290 = arith.constant dense<0.000000e+00> : vector<256x1xf32>
    %reduce_sum3A_291 = vector.multi_reduction <add>, %mul3A_289, %reduce_sum3A_290 [2] : vector<256x1x128xf32> to vector<256x1xf32>
    %broadcast_in_dim3A_292 = vector.shape_cast %reduce_sum3A_291 : vector<256x1xf32> to vector<256x1x1xf32>
    %add3A_293 = vector.broadcast %broadcast_in_dim3A_292 : vector<256x1x1xf32> to vector<256x16x1xf32>
    %add3A_294 = arith.addf %broadcast_in_dim3A_287, %add3A_293 : vector<256x16x1xf32>
    %reshape3A_295 = vector.shape_cast %add3A_294 : vector<256x16x1xf32> to vector<128x2x16x1xf32>
    %slice3A_296 = vector.extract_strided_slice %reshape3A_295 {offsets = [0, 0, 0, 0], sizes = [128, 1, 16, 1], strides = [1, 1, 1, 1]} : vector<128x2x16x1xf32> to vector<128x1x16x1xf32>
    %squeeze3A_297 = vector.shape_cast %slice3A_296 : vector<128x1x16x1xf32> to vector<128x16x1xf32>
    %slice3A_298 = vector.extract_strided_slice %reshape3A_295 {offsets = [0, 1, 0, 0], sizes = [128, 1, 16, 1], strides = [1, 1, 1, 1]} : vector<128x2x16x1xf32> to vector<128x1x16x1xf32>
    %squeeze3A_299 = vector.shape_cast %slice3A_298 : vector<128x1x16x1xf32> to vector<128x16x1xf32>
    %sub3A_300 = arith.subf %squeeze3A_297, %squeeze3A_299 : vector<128x16x1xf32>
    %logistic3A_301 = arith.negf %sub3A_300 : vector<128x16x1xf32>
    %logistic3A_302 = math.exp %logistic3A_301 : vector<128x16x1xf32>
    %logistic3A_303 = arith.constant 1.000000e+00 : f32
    %logistic3A_304 = vector.broadcast %logistic3A_303 : f32 to vector<128x16x1xf32>
    %logistic3A_305 = arith.addf %logistic3A_304, %logistic3A_302 : vector<128x16x1xf32>
    %logistic3A_306 = arith.divf %logistic3A_304, %logistic3A_305 : vector<128x16x1xf32>
    %reshape3A_307 = vector.shape_cast %reshape3A_271 : vector<256x16x128xf32> to vector<128x2x16x128xf32>
    %slice3A_308 = vector.extract_strided_slice %reshape3A_307 {offsets = [0, 1, 0, 0], sizes = [128, 1, 16, 128], strides = [1, 1, 1, 1]} : vector<128x2x16x128xf32> to vector<128x1x16x128xf32>
    %squeeze3A_309 = vector.shape_cast %slice3A_308 : vector<128x1x16x128xf32> to vector<128x16x128xf32>
    %slice3A_310 = vector.extract_strided_slice %reshape3A_307 {offsets = [0, 0, 0, 0], sizes = [128, 1, 16, 128], strides = [1, 1, 1, 1]} : vector<128x2x16x128xf32> to vector<128x1x16x128xf32>
    %squeeze3A_311 = vector.shape_cast %slice3A_310 : vector<128x1x16x128xf32> to vector<128x16x128xf32>
    %slice3A_312 = vector.extract_strided_slice %reshape3A_307 {offsets = [0, 1, 0, 0], sizes = [128, 1, 16, 128], strides = [1, 1, 1, 1]} : vector<128x2x16x128xf32> to vector<128x1x16x128xf32>
    %squeeze3A_313 = vector.shape_cast %slice3A_312 : vector<128x1x16x128xf32> to vector<128x16x128xf32>
    %sub3A_314 = arith.subf %squeeze3A_311, %squeeze3A_313 : vector<128x16x128xf32>
    %mul3A_315 = vector.broadcast %logistic3A_306 : vector<128x16x1xf32> to vector<128x16x128xf32>
    %mul3A_316 = arith.mulf %mul3A_315, %sub3A_314 : vector<128x16x128xf32>
    %add3A_317 = arith.addf %squeeze3A_309, %mul3A_316 : vector<128x16x128xf32>
    %get3A_318 = arith.constant 0 : index
    %get3A_319 = arith.constant 0 : index
    %get3A_320 = vector.load %arg4[%get3A_318, %get3A_319] : memref<128x384xf32, #tpu.memory_space<vmem>>, vector<128x384xf32>
    %dot_general3A_321 = arith.constant dense<0.000000e+00> : vector<4096x384xf32>
    %dot_general3A_322 = tpu.matmul %mul3A_270, %get3A_320, %dot_general3A_321 {dimension_numbers = #tpu.dot_dimension_numbers<[1], [0], [0], [1], [0, 0, 1, 1], [], []>, transpose_lhs_hint = false} : vector<4096x128xf32>, vector<128x384xf32>, vector<4096x384xf32> -> vector<4096x384xf32>
    %slice3A_323 = vector.extract_strided_slice %dot_general3A_322 {offsets = [0, 0], sizes = [4096, 128], strides = [1, 1]} : vector<4096x384xf32> to vector<4096x128xf32>
    %reshape3A_324 = vector.shape_cast %slice3A_323 : vector<4096x128xf32> to vector<256x16x128xf32>
    %slice3A_325 = vector.extract_strided_slice %dot_general3A_322 {offsets = [0, 128], sizes = [4096, 128], strides = [1, 1]} : vector<4096x384xf32> to vector<4096x128xf32>
    %reshape3A_326 = vector.shape_cast %slice3A_325 : vector<4096x128xf32> to vector<256x16x128xf32>
    %slice3A_327 = vector.extract_strided_slice %dot_general3A_322 {offsets = [0, 256], sizes = [4096, 128], strides = [1, 1]} : vector<4096x384xf32> to vector<4096x128xf32>
    %reshape3A_328 = vector.shape_cast %slice3A_327 : vector<4096x128xf32> to vector<256x16x128xf32>
    %eq3A_329 = arith.constant 1 : i32
    %eq3A_330 = vector.broadcast %eq3A_329 : i32 to vector<256x1x128xi32>
    %eq3A_331 = arith.cmpi eq, %get3A_276, %eq3A_330 : vector<256x1x128xi32>
    %broadcast_in_dim3A_332 = vector.shape_cast %eq3A_331 : vector<256x1x128xi1> to vector<256x1x128xi1>
    %broadcast_in_dim3A_333 = vector.broadcast %broadcast_in_dim3A_332 : vector<256x1x128xi1> to vector<256x16x128xi1>
    %select_n3A_334 = arith.select %broadcast_in_dim3A_333, %reshape3A_326, %reshape3A_328 : vector<256x16x128xi1>, vector<256x16x128xf32>
    %eq3A_335 = arith.constant 0 : i32
    %eq3A_336 = vector.broadcast %eq3A_335 : i32 to vector<256x1x128xi32>
    %eq3A_337 = arith.cmpi eq, %get3A_276, %eq3A_336 : vector<256x1x128xi32>
    %broadcast_in_dim3A_338 = vector.shape_cast %eq3A_337 : vector<256x1x128xi1> to vector<256x1x128xi1>
    %broadcast_in_dim3A_339 = vector.broadcast %broadcast_in_dim3A_338 : vector<256x1x128xi1> to vector<256x16x128xi1>
    %select_n3A_340 = arith.select %broadcast_in_dim3A_339, %reshape3A_324, %select_n3A_334 : vector<256x16x128xi1>, vector<256x16x128xf32>
    %add3A_341 = vector.broadcast %slice3A_282 : vector<256x1x128xf32> to vector<256x16x128xf32>
    %add3A_342 = arith.addf %select_n3A_340, %add3A_341 : vector<256x16x128xf32>
    %mul3A_343 = arith.mulf %add3A_342, %reshape3A_272 : vector<256x16x128xf32>
    %reshape3A_344 = vector.shape_cast %mul3A_343 : vector<256x16x128xf32> to vector<128x2x16x128xf32>
    %slice3A_345 = vector.extract_strided_slice %reshape3A_344 {offsets = [0, 0, 0, 0], sizes = [128, 1, 16, 128], strides = [1, 1, 1, 1]} : vector<128x2x16x128xf32> to vector<128x1x16x128xf32>
    %squeeze3A_346 = vector.shape_cast %slice3A_345 : vector<128x1x16x128xf32> to vector<128x16x128xf32>
    %slice3A_347 = vector.extract_strided_slice %reshape3A_344 {offsets = [0, 1, 0, 0], sizes = [128, 1, 16, 128], strides = [1, 1, 1, 1]} : vector<128x2x16x128xf32> to vector<128x1x16x128xf32>
    %squeeze3A_348 = vector.shape_cast %slice3A_347 : vector<128x1x16x128xf32> to vector<128x16x128xf32>
    %add3A_349 = arith.addf %squeeze3A_346, %squeeze3A_348 : vector<128x16x128xf32>
    %reshape3A_350 = vector.shape_cast %add3A_349 : vector<128x16x128xf32> to vector<2048x128xf32>
    %get3A_351 = arith.constant 127 : index
    %get3A_352 = arith.constant 0 : index
    %get3A_353 = arith.constant 0 : index
    %get3A_354 = vector.load %arg0[%get3A_351, %get3A_352, %get3A_353] : memref<2047x16x128xf32, #tpu.memory_space<vmem>>, vector<128x16x128xf32>
    %reshape3A_355 = vector.shape_cast %get3A_354 : vector<128x16x128xf32> to vector<2048x128xf32>
    %reshape3A_356 = vector.shape_cast %add3A_317 : vector<128x16x128xf32> to vector<2048x128xf32>
    %get3A_357 = arith.constant 0 : index
    %get3A_358 = arith.constant 0 : index
    %get3A_359 = vector.load %arg5[%get3A_357, %get3A_358] : memref<128x384xf32, #tpu.memory_space<vmem>>, vector<128x384xf32>
    %dot_general3A_360 = arith.constant dense<0.000000e+00> : vector<2048x384xf32>
    %dot_general3A_361 = tpu.matmul %reshape3A_355, %get3A_359, %dot_general3A_360 {dimension_numbers = #tpu.dot_dimension_numbers<[1], [0], [0], [1], [0, 0, 1, 1], [], []>, transpose_lhs_hint = false} : vector<2048x128xf32>, vector<128x384xf32>, vector<2048x384xf32> -> vector<2048x384xf32>
    %get3A_362 = arith.constant 0 : index
    %get3A_363 = arith.constant 0 : index
    %get3A_364 = vector.load %arg6[%get3A_362, %get3A_363] : memref<128x384xf32, #tpu.memory_space<vmem>>, vector<128x384xf32>
    %dot_general3A_365 = arith.constant dense<0.000000e+00> : vector<2048x384xf32>
    %dot_general3A_366 = tpu.matmul %reshape3A_356, %get3A_364, %dot_general3A_365 {dimension_numbers = #tpu.dot_dimension_numbers<[1], [0], [0], [1], [0, 0, 1, 1], [], []>, transpose_lhs_hint = false} : vector<2048x128xf32>, vector<128x384xf32>, vector<2048x384xf32> -> vector<2048x384xf32>
    %add3A_367 = arith.addf %dot_general3A_361, %dot_general3A_366 : vector<2048x384xf32>
    %get3A_368 = arith.constant 0 : index
    %get3A_369 = arith.constant 0 : index
    %get3A_370 = vector.load %arg7[%get3A_368, %get3A_369] : memref<1x384xf32, #tpu.memory_space<vmem>>, vector<1x384xf32>
    %add3A_371 = vector.broadcast %get3A_370 : vector<1x384xf32> to vector<2048x384xf32>
    %add3A_372 = arith.addf %add3A_367, %add3A_371 : vector<2048x384xf32>
    %slice3A_373 = vector.extract_strided_slice %add3A_372 {offsets = [0, 0], sizes = [2048, 128], strides = [1, 1]} : vector<2048x384xf32> to vector<2048x128xf32>
    %logistic3A_374 = arith.negf %slice3A_373 : vector<2048x128xf32>
    %logistic3A_375 = math.exp %logistic3A_374 : vector<2048x128xf32>
    %logistic3A_376 = arith.constant 1.000000e+00 : f32
    %logistic3A_377 = vector.broadcast %logistic3A_376 : f32 to vector<2048x128xf32>
    %logistic3A_378 = arith.addf %logistic3A_377, %logistic3A_375 : vector<2048x128xf32>
    %logistic3A_379 = arith.divf %logistic3A_377, %logistic3A_378 : vector<2048x128xf32>
    %slice3A_380 = vector.extract_strided_slice %add3A_372 {offsets = [0, 128], sizes = [2048, 128], strides = [1, 1]} : vector<2048x384xf32> to vector<2048x128xf32>
    %logistic3A_381 = arith.negf %slice3A_380 : vector<2048x128xf32>
    %logistic3A_382 = math.exp %logistic3A_381 : vector<2048x128xf32>
    %logistic3A_383 = arith.constant 1.000000e+00 : f32
    %logistic3A_384 = vector.broadcast %logistic3A_383 : f32 to vector<2048x128xf32>
    %logistic3A_385 = arith.addf %logistic3A_384, %logistic3A_382 : vector<2048x128xf32>
    %logistic3A_386 = arith.divf %logistic3A_384, %logistic3A_385 : vector<2048x128xf32>
    %slice3A_387 = vector.extract_strided_slice %add3A_372 {offsets = [0, 256], sizes = [2048, 128], strides = [1, 1]} : vector<2048x384xf32> to vector<2048x128xf32>
    %tanh3A_388 = math.tanh %slice3A_387 : vector<2048x128xf32>
    %mul3A_389 = arith.mulf %logistic3A_379, %tanh3A_388 : vector<2048x128xf32>
    %add3A_390 = arith.addf %mul3A_389, %reshape3A_350 : vector<2048x128xf32>
    %tanh3A_391 = math.tanh %add3A_390 : vector<2048x128xf32>
    %mul3A_392 = arith.mulf %logistic3A_386, %tanh3A_391 : vector<2048x128xf32>
    %reshape3A_393 = vector.shape_cast %mul3A_392 : vector<2048x128xf32> to vector<128x16x128xf32>
    %reshape3A_394 = vector.shape_cast %add3A_390 : vector<2048x128xf32> to vector<128x16x128xf32>
    %get3A_395 = arith.constant 127 : index
    %get3A_396 = arith.constant 0 : index
    %get3A_397 = arith.constant 0 : index
    %get3A_398 = vector.load %arg1[%get3A_395, %get3A_396, %get3A_397] : memref<2047x1x128xi32, #tpu.memory_space<vmem>>, vector<128x1x128xi32>
    %get3A_399 = arith.constant 127 : index
    %get3A_400 = arith.constant 0 : index
    %get3A_401 = arith.constant 0 : index
    %get3A_402 = vector.load %arg2[%get3A_399, %get3A_400, %get3A_401] : memref<2048x1x256xf32, #tpu.memory_space<vmem>>, vector<128x1x256xf32>
    %slice3A_403 = vector.extract_strided_slice %get3A_402 {offsets = [0, 0, 0], sizes = [128, 1, 128], strides = [1, 1, 1]} : vector<128x1x256xf32> to vector<128x1x128xf32>
    %slice3A_404 = vector.extract_strided_slice %get3A_402 {offsets = [0, 0, 128], sizes = [128, 1, 128], strides = [1, 1, 1]} : vector<128x1x256xf32> to vector<128x1x128xf32>
    %mul3A_405 = vector.broadcast %reshape3A_32 : vector<1x1x128xf32> to vector<128x16x128xf32>
    %mul3A_406 = arith.mulf %reshape3A_393, %mul3A_405 : vector<128x16x128xf32>
    %reduce_sum3A_407 = arith.constant dense<0.000000e+00> : vector<128x16xf32>
    %reduce_sum3A_408 = vector.multi_reduction <add>, %mul3A_406, %reduce_sum3A_407 [2] : vector<128x16x128xf32> to vector<128x16xf32>
    %broadcast_in_dim3A_409 = vector.shape_cast %reduce_sum3A_408 : vector<128x16xf32> to vector<128x16x1xf32>
    %mul3A_410 = vector.broadcast %reshape3A_32 : vector<1x1x128xf32> to vector<128x1x128xf32>
    %mul3A_411 = arith.mulf %slice3A_403, %mul3A_410 : vector<128x1x128xf32>
    %reduce_sum3A_412 = arith.constant dense<0.000000e+00> : vector<128x1xf32>
    %reduce_sum3A_413 = vector.multi_reduction <add>, %mul3A_411, %reduce_sum3A_412 [2] : vector<128x1x128xf32> to vector<128x1xf32>
    %broadcast_in_dim3A_414 = vector.shape_cast %reduce_sum3A_413 : vector<128x1xf32> to vector<128x1x1xf32>
    %add3A_415 = vector.broadcast %broadcast_in_dim3A_414 : vector<128x1x1xf32> to vector<128x16x1xf32>
    %add3A_416 = arith.addf %broadcast_in_dim3A_409, %add3A_415 : vector<128x16x1xf32>
    %reshape3A_417 = vector.shape_cast %add3A_416 : vector<128x16x1xf32> to vector<64x2x16x1xf32>
    %slice3A_418 = vector.extract_strided_slice %reshape3A_417 {offsets = [0, 0, 0, 0], sizes = [64, 1, 16, 1], strides = [1, 1, 1, 1]} : vector<64x2x16x1xf32> to vector<64x1x16x1xf32>
    %squeeze3A_419 = vector.shape_cast %slice3A_418 : vector<64x1x16x1xf32> to vector<64x16x1xf32>
    %slice3A_420 = vector.extract_strided_slice %reshape3A_417 {offsets = [0, 1, 0, 0], sizes = [64, 1, 16, 1], strides = [1, 1, 1, 1]} : vector<64x2x16x1xf32> to vector<64x1x16x1xf32>
    %squeeze3A_421 = vector.shape_cast %slice3A_420 : vector<64x1x16x1xf32> to vector<64x16x1xf32>
    %sub3A_422 = arith.subf %squeeze3A_419, %squeeze3A_421 : vector<64x16x1xf32>
    %logistic3A_423 = arith.negf %sub3A_422 : vector<64x16x1xf32>
    %logistic3A_424 = math.exp %logistic3A_423 : vector<64x16x1xf32>
    %logistic3A_425 = arith.constant 1.000000e+00 : f32
    %logistic3A_426 = vector.broadcast %logistic3A_425 : f32 to vector<64x16x1xf32>
    %logistic3A_427 = arith.addf %logistic3A_426, %logistic3A_424 : vector<64x16x1xf32>
    %logistic3A_428 = arith.divf %logistic3A_426, %logistic3A_427 : vector<64x16x1xf32>
    %reshape3A_429 = vector.shape_cast %reshape3A_393 : vector<128x16x128xf32> to vector<64x2x16x128xf32>
    %slice3A_430 = vector.extract_strided_slice %reshape3A_429 {offsets = [0, 1, 0, 0], sizes = [64, 1, 16, 128], strides = [1, 1, 1, 1]} : vector<64x2x16x128xf32> to vector<64x1x16x128xf32>
    %squeeze3A_431 = vector.shape_cast %slice3A_430 : vector<64x1x16x128xf32> to vector<64x16x128xf32>
    %slice3A_432 = vector.extract_strided_slice %reshape3A_429 {offsets = [0, 0, 0, 0], sizes = [64, 1, 16, 128], strides = [1, 1, 1, 1]} : vector<64x2x16x128xf32> to vector<64x1x16x128xf32>
    %squeeze3A_433 = vector.shape_cast %slice3A_432 : vector<64x1x16x128xf32> to vector<64x16x128xf32>
    %slice3A_434 = vector.extract_strided_slice %reshape3A_429 {offsets = [0, 1, 0, 0], sizes = [64, 1, 16, 128], strides = [1, 1, 1, 1]} : vector<64x2x16x128xf32> to vector<64x1x16x128xf32>
    %squeeze3A_435 = vector.shape_cast %slice3A_434 : vector<64x1x16x128xf32> to vector<64x16x128xf32>
    %sub3A_436 = arith.subf %squeeze3A_433, %squeeze3A_435 : vector<64x16x128xf32>
    %mul3A_437 = vector.broadcast %logistic3A_428 : vector<64x16x1xf32> to vector<64x16x128xf32>
    %mul3A_438 = arith.mulf %mul3A_437, %sub3A_436 : vector<64x16x128xf32>
    %add3A_439 = arith.addf %squeeze3A_431, %mul3A_438 : vector<64x16x128xf32>
    %get3A_440 = arith.constant 0 : index
    %get3A_441 = arith.constant 0 : index
    %get3A_442 = vector.load %arg4[%get3A_440, %get3A_441] : memref<128x384xf32, #tpu.memory_space<vmem>>, vector<128x384xf32>
    %dot_general3A_443 = arith.constant dense<0.000000e+00> : vector<2048x384xf32>
    %dot_general3A_444 = tpu.matmul %mul3A_392, %get3A_442, %dot_general3A_443 {dimension_numbers = #tpu.dot_dimension_numbers<[1], [0], [0], [1], [0, 0, 1, 1], [], []>, transpose_lhs_hint = false} : vector<2048x128xf32>, vector<128x384xf32>, vector<2048x384xf32> -> vector<2048x384xf32>
    %slice3A_445 = vector.extract_strided_slice %dot_general3A_444 {offsets = [0, 0], sizes = [2048, 128], strides = [1, 1]} : vector<2048x384xf32> to vector<2048x128xf32>
    %reshape3A_446 = vector.shape_cast %slice3A_445 : vector<2048x128xf32> to vector<128x16x128xf32>
    %slice3A_447 = vector.extract_strided_slice %dot_general3A_444 {offsets = [0, 128], sizes = [2048, 128], strides = [1, 1]} : vector<2048x384xf32> to vector<2048x128xf32>
    %reshape3A_448 = vector.shape_cast %slice3A_447 : vector<2048x128xf32> to vector<128x16x128xf32>
    %slice3A_449 = vector.extract_strided_slice %dot_general3A_444 {offsets = [0, 256], sizes = [2048, 128], strides = [1, 1]} : vector<2048x384xf32> to vector<2048x128xf32>
    %reshape3A_450 = vector.shape_cast %slice3A_449 : vector<2048x128xf32> to vector<128x16x128xf32>
    %eq3A_451 = arith.constant 1 : i32
    %eq3A_452 = vector.broadcast %eq3A_451 : i32 to vector<128x1x128xi32>
    %eq3A_453 = arith.cmpi eq, %get3A_398, %eq3A_452 : vector<128x1x128xi32>
    %broadcast_in_dim3A_454 = vector.shape_cast %eq3A_453 : vector<128x1x128xi1> to vector<128x1x128xi1>
    %broadcast_in_dim3A_455 = vector.broadcast %broadcast_in_dim3A_454 : vector<128x1x128xi1> to vector<128x16x128xi1>
    %select_n3A_456 = arith.select %broadcast_in_dim3A_455, %reshape3A_448, %reshape3A_450 : vector<128x16x128xi1>, vector<128x16x128xf32>
    %eq3A_457 = arith.constant 0 : i32
    %eq3A_458 = vector.broadcast %eq3A_457 : i32 to vector<128x1x128xi32>
    %eq3A_459 = arith.cmpi eq, %get3A_398, %eq3A_458 : vector<128x1x128xi32>
    %broadcast_in_dim3A_460 = vector.shape_cast %eq3A_459 : vector<128x1x128xi1> to vector<128x1x128xi1>
    %broadcast_in_dim3A_461 = vector.broadcast %broadcast_in_dim3A_460 : vector<128x1x128xi1> to vector<128x16x128xi1>
    %select_n3A_462 = arith.select %broadcast_in_dim3A_461, %reshape3A_446, %select_n3A_456 : vector<128x16x128xi1>, vector<128x16x128xf32>
    %add3A_463 = vector.broadcast %slice3A_404 : vector<128x1x128xf32> to vector<128x16x128xf32>
    %add3A_464 = arith.addf %select_n3A_462, %add3A_463 : vector<128x16x128xf32>
    %mul3A_465 = arith.mulf %add3A_464, %reshape3A_394 : vector<128x16x128xf32>
    %reshape3A_466 = vector.shape_cast %mul3A_465 : vector<128x16x128xf32> to vector<64x2x16x128xf32>
    %slice3A_467 = vector.extract_strided_slice %reshape3A_466 {offsets = [0, 0, 0, 0], sizes = [64, 1, 16, 128], strides = [1, 1, 1, 1]} : vector<64x2x16x128xf32> to vector<64x1x16x128xf32>
    %squeeze3A_468 = vector.shape_cast %slice3A_467 : vector<64x1x16x128xf32> to vector<64x16x128xf32>
    %slice3A_469 = vector.extract_strided_slice %reshape3A_466 {offsets = [0, 1, 0, 0], sizes = [64, 1, 16, 128], strides = [1, 1, 1, 1]} : vector<64x2x16x128xf32> to vector<64x1x16x128xf32>
    %squeeze3A_470 = vector.shape_cast %slice3A_469 : vector<64x1x16x128xf32> to vector<64x16x128xf32>
    %add3A_471 = arith.addf %squeeze3A_468, %squeeze3A_470 : vector<64x16x128xf32>
    %reshape3A_472 = vector.shape_cast %add3A_471 : vector<64x16x128xf32> to vector<1024x128xf32>
    %get3A_473 = arith.constant 63 : index
    %get3A_474 = arith.constant 0 : index
    %get3A_475 = arith.constant 0 : index
    %get3A_476 = vector.load %arg0[%get3A_473, %get3A_474, %get3A_475] : memref<2047x16x128xf32, #tpu.memory_space<vmem>>, vector<64x16x128xf32>
    %reshape3A_477 = vector.shape_cast %get3A_476 : vector<64x16x128xf32> to vector<1024x128xf32>
    %reshape3A_478 = vector.shape_cast %add3A_439 : vector<64x16x128xf32> to vector<1024x128xf32>
    %get3A_479 = arith.constant 0 : index
    %get3A_480 = arith.constant 0 : index
    %get3A_481 = vector.load %arg5[%get3A_479, %get3A_480] : memref<128x384xf32, #tpu.memory_space<vmem>>, vector<128x384xf32>
    %dot_general3A_482 = arith.constant dense<0.000000e+00> : vector<1024x384xf32>
    %dot_general3A_483 = tpu.matmul %reshape3A_477, %get3A_481, %dot_general3A_482 {dimension_numbers = #tpu.dot_dimension_numbers<[1], [0], [0], [1], [0, 0, 1, 1], [], []>, transpose_lhs_hint = false} : vector<1024x128xf32>, vector<128x384xf32>, vector<1024x384xf32> -> vector<1024x384xf32>
    %get3A_484 = arith.constant 0 : index
    %get3A_485 = arith.constant 0 : index
    %get3A_486 = vector.load %arg6[%get3A_484, %get3A_485] : memref<128x384xf32, #tpu.memory_space<vmem>>, vector<128x384xf32>
    %dot_general3A_487 = arith.constant dense<0.000000e+00> : vector<1024x384xf32>
    %dot_general3A_488 = tpu.matmul %reshape3A_478, %get3A_486, %dot_general3A_487 {dimension_numbers = #tpu.dot_dimension_numbers<[1], [0], [0], [1], [0, 0, 1, 1], [], []>, transpose_lhs_hint = false} : vector<1024x128xf32>, vector<128x384xf32>, vector<1024x384xf32> -> vector<1024x384xf32>
    %add3A_489 = arith.addf %dot_general3A_483, %dot_general3A_488 : vector<1024x384xf32>
    %get3A_490 = arith.constant 0 : index
    %get3A_491 = arith.constant 0 : index
    %get3A_492 = vector.load %arg7[%get3A_490, %get3A_491] : memref<1x384xf32, #tpu.memory_space<vmem>>, vector<1x384xf32>
    %add3A_493 = vector.broadcast %get3A_492 : vector<1x384xf32> to vector<1024x384xf32>
    %add3A_494 = arith.addf %add3A_489, %add3A_493 : vector<1024x384xf32>
    %slice3A_495 = vector.extract_strided_slice %add3A_494 {offsets = [0, 0], sizes = [1024, 128], strides = [1, 1]} : vector<1024x384xf32> to vector<1024x128xf32>
    %logistic3A_496 = arith.negf %slice3A_495 : vector<1024x128xf32>
    %logistic3A_497 = math.exp %logistic3A_496 : vector<1024x128xf32>
    %logistic3A_498 = arith.constant 1.000000e+00 : f32
    %logistic3A_499 = vector.broadcast %logistic3A_498 : f32 to vector<1024x128xf32>
    %logistic3A_500 = arith.addf %logistic3A_499, %logistic3A_497 : vector<1024x128xf32>
    %logistic3A_501 = arith.divf %logistic3A_499, %logistic3A_500 : vector<1024x128xf32>
    %slice3A_502 = vector.extract_strided_slice %add3A_494 {offsets = [0, 128], sizes = [1024, 128], strides = [1, 1]} : vector<1024x384xf32> to vector<1024x128xf32>
    %logistic3A_503 = arith.negf %slice3A_502 : vector<1024x128xf32>
    %logistic3A_504 = math.exp %logistic3A_503 : vector<1024x128xf32>
    %logistic3A_505 = arith.constant 1.000000e+00 : f32
    %logistic3A_506 = vector.broadcast %logistic3A_505 : f32 to vector<1024x128xf32>
    %logistic3A_507 = arith.addf %logistic3A_506, %logistic3A_504 : vector<1024x128xf32>
    %logistic3A_508 = arith.divf %logistic3A_506, %logistic3A_507 : vector<1024x128xf32>
    %slice3A_509 = vector.extract_strided_slice %add3A_494 {offsets = [0, 256], sizes = [1024, 128], strides = [1, 1]} : vector<1024x384xf32> to vector<1024x128xf32>
    %tanh3A_510 = math.tanh %slice3A_509 : vector<1024x128xf32>
    %mul3A_511 = arith.mulf %logistic3A_501, %tanh3A_510 : vector<1024x128xf32>
    %add3A_512 = arith.addf %mul3A_511, %reshape3A_472 : vector<1024x128xf32>
    %tanh3A_513 = math.tanh %add3A_512 : vector<1024x128xf32>
    %mul3A_514 = arith.mulf %logistic3A_508, %tanh3A_513 : vector<1024x128xf32>
    %reshape3A_515 = vector.shape_cast %mul3A_514 : vector<1024x128xf32> to vector<64x16x128xf32>
    %reshape3A_516 = vector.shape_cast %add3A_512 : vector<1024x128xf32> to vector<64x16x128xf32>
    %get3A_517 = arith.constant 63 : index
    %get3A_518 = arith.constant 0 : index
    %get3A_519 = arith.constant 0 : index
    %get3A_520 = vector.load %arg1[%get3A_517, %get3A_518, %get3A_519] : memref<2047x1x128xi32, #tpu.memory_space<vmem>>, vector<64x1x128xi32>
    %get3A_521 = arith.constant 63 : index
    %get3A_522 = arith.constant 0 : index
    %get3A_523 = arith.constant 0 : index
    %get3A_524 = vector.load %arg2[%get3A_521, %get3A_522, %get3A_523] : memref<2048x1x256xf32, #tpu.memory_space<vmem>>, vector<64x1x256xf32>
    %slice3A_525 = vector.extract_strided_slice %get3A_524 {offsets = [0, 0, 0], sizes = [64, 1, 128], strides = [1, 1, 1]} : vector<64x1x256xf32> to vector<64x1x128xf32>
    %slice3A_526 = vector.extract_strided_slice %get3A_524 {offsets = [0, 0, 128], sizes = [64, 1, 128], strides = [1, 1, 1]} : vector<64x1x256xf32> to vector<64x1x128xf32>
    %mul3A_527 = vector.broadcast %reshape3A_32 : vector<1x1x128xf32> to vector<64x16x128xf32>
    %mul3A_528 = arith.mulf %reshape3A_515, %mul3A_527 : vector<64x16x128xf32>
    %reduce_sum3A_529 = arith.constant dense<0.000000e+00> : vector<64x16xf32>
    %reduce_sum3A_530 = vector.multi_reduction <add>, %mul3A_528, %reduce_sum3A_529 [2] : vector<64x16x128xf32> to vector<64x16xf32>
    %broadcast_in_dim3A_531 = vector.shape_cast %reduce_sum3A_530 : vector<64x16xf32> to vector<64x16x1xf32>
    %mul3A_532 = vector.broadcast %reshape3A_32 : vector<1x1x128xf32> to vector<64x1x128xf32>
    %mul3A_533 = arith.mulf %slice3A_525, %mul3A_532 : vector<64x1x128xf32>
    %reduce_sum3A_534 = arith.constant dense<0.000000e+00> : vector<64x1xf32>
    %reduce_sum3A_535 = vector.multi_reduction <add>, %mul3A_533, %reduce_sum3A_534 [2] : vector<64x1x128xf32> to vector<64x1xf32>
    %broadcast_in_dim3A_536 = vector.shape_cast %reduce_sum3A_535 : vector<64x1xf32> to vector<64x1x1xf32>
    %add3A_537 = vector.broadcast %broadcast_in_dim3A_536 : vector<64x1x1xf32> to vector<64x16x1xf32>
    %add3A_538 = arith.addf %broadcast_in_dim3A_531, %add3A_537 : vector<64x16x1xf32>
    %reshape3A_539 = vector.shape_cast %add3A_538 : vector<64x16x1xf32> to vector<32x2x16x1xf32>
    %slice3A_540 = vector.extract_strided_slice %reshape3A_539 {offsets = [0, 0, 0, 0], sizes = [32, 1, 16, 1], strides = [1, 1, 1, 1]} : vector<32x2x16x1xf32> to vector<32x1x16x1xf32>
    %squeeze3A_541 = vector.shape_cast %slice3A_540 : vector<32x1x16x1xf32> to vector<32x16x1xf32>
    %slice3A_542 = vector.extract_strided_slice %reshape3A_539 {offsets = [0, 1, 0, 0], sizes = [32, 1, 16, 1], strides = [1, 1, 1, 1]} : vector<32x2x16x1xf32> to vector<32x1x16x1xf32>
    %squeeze3A_543 = vector.shape_cast %slice3A_542 : vector<32x1x16x1xf32> to vector<32x16x1xf32>
    %sub3A_544 = arith.subf %squeeze3A_541, %squeeze3A_543 : vector<32x16x1xf32>
    %logistic3A_545 = arith.negf %sub3A_544 : vector<32x16x1xf32>
    %logistic3A_546 = math.exp %logistic3A_545 : vector<32x16x1xf32>
    %logistic3A_547 = arith.constant 1.000000e+00 : f32
    %logistic3A_548 = vector.broadcast %logistic3A_547 : f32 to vector<32x16x1xf32>
    %logistic3A_549 = arith.addf %logistic3A_548, %logistic3A_546 : vector<32x16x1xf32>
    %logistic3A_550 = arith.divf %logistic3A_548, %logistic3A_549 : vector<32x16x1xf32>
    %reshape3A_551 = vector.shape_cast %reshape3A_515 : vector<64x16x128xf32> to vector<32x2x16x128xf32>
    %slice3A_552 = vector.extract_strided_slice %reshape3A_551 {offsets = [0, 1, 0, 0], sizes = [32, 1, 16, 128], strides = [1, 1, 1, 1]} : vector<32x2x16x128xf32> to vector<32x1x16x128xf32>
    %squeeze3A_553 = vector.shape_cast %slice3A_552 : vector<32x1x16x128xf32> to vector<32x16x128xf32>
    %slice3A_554 = vector.extract_strided_slice %reshape3A_551 {offsets = [0, 0, 0, 0], sizes = [32, 1, 16, 128], strides = [1, 1, 1, 1]} : vector<32x2x16x128xf32> to vector<32x1x16x128xf32>
    %squeeze3A_555 = vector.shape_cast %slice3A_554 : vector<32x1x16x128xf32> to vector<32x16x128xf32>
    %slice3A_556 = vector.extract_strided_slice %reshape3A_551 {offsets = [0, 1, 0, 0], sizes = [32, 1, 16, 128], strides = [1, 1, 1, 1]} : vector<32x2x16x128xf32> to vector<32x1x16x128xf32>
    %squeeze3A_557 = vector.shape_cast %slice3A_556 : vector<32x1x16x128xf32> to vector<32x16x128xf32>
    %sub3A_558 = arith.subf %squeeze3A_555, %squeeze3A_557 : vector<32x16x128xf32>
    %mul3A_559 = vector.broadcast %logistic3A_550 : vector<32x16x1xf32> to vector<32x16x128xf32>
    %mul3A_560 = arith.mulf %mul3A_559, %sub3A_558 : vector<32x16x128xf32>
    %add3A_561 = arith.addf %squeeze3A_553, %mul3A_560 : vector<32x16x128xf32>
    %get3A_562 = arith.constant 0 : index
    %get3A_563 = arith.constant 0 : index
    %get3A_564 = vector.load %arg4[%get3A_562, %get3A_563] : memref<128x384xf32, #tpu.memory_space<vmem>>, vector<128x384xf32>
    %dot_general3A_565 = arith.constant dense<0.000000e+00> : vector<1024x384xf32>
    %dot_general3A_566 = tpu.matmul %mul3A_514, %get3A_564, %dot_general3A_565 {dimension_numbers = #tpu.dot_dimension_numbers<[1], [0], [0], [1], [0, 0, 1, 1], [], []>, transpose_lhs_hint = false} : vector<1024x128xf32>, vector<128x384xf32>, vector<1024x384xf32> -> vector<1024x384xf32>
    %slice3A_567 = vector.extract_strided_slice %dot_general3A_566 {offsets = [0, 0], sizes = [1024, 128], strides = [1, 1]} : vector<1024x384xf32> to vector<1024x128xf32>
    %reshape3A_568 = vector.shape_cast %slice3A_567 : vector<1024x128xf32> to vector<64x16x128xf32>
    %slice3A_569 = vector.extract_strided_slice %dot_general3A_566 {offsets = [0, 128], sizes = [1024, 128], strides = [1, 1]} : vector<1024x384xf32> to vector<1024x128xf32>
    %reshape3A_570 = vector.shape_cast %slice3A_569 : vector<1024x128xf32> to vector<64x16x128xf32>
    %slice3A_571 = vector.extract_strided_slice %dot_general3A_566 {offsets = [0, 256], sizes = [1024, 128], strides = [1, 1]} : vector<1024x384xf32> to vector<1024x128xf32>
    %reshape3A_572 = vector.shape_cast %slice3A_571 : vector<1024x128xf32> to vector<64x16x128xf32>
    %eq3A_573 = arith.constant 1 : i32
    %eq3A_574 = vector.broadcast %eq3A_573 : i32 to vector<64x1x128xi32>
    %eq3A_575 = arith.cmpi eq, %get3A_520, %eq3A_574 : vector<64x1x128xi32>
    %broadcast_in_dim3A_576 = vector.shape_cast %eq3A_575 : vector<64x1x128xi1> to vector<64x1x128xi1>
    %broadcast_in_dim3A_577 = vector.broadcast %broadcast_in_dim3A_576 : vector<64x1x128xi1> to vector<64x16x128xi1>
    %select_n3A_578 = arith.select %broadcast_in_dim3A_577, %reshape3A_570, %reshape3A_572 : vector<64x16x128xi1>, vector<64x16x128xf32>
    %eq3A_579 = arith.constant 0 : i32
    %eq3A_580 = vector.broadcast %eq3A_579 : i32 to vector<64x1x128xi32>
    %eq3A_581 = arith.cmpi eq, %get3A_520, %eq3A_580 : vector<64x1x128xi32>
    %broadcast_in_dim3A_582 = vector.shape_cast %eq3A_581 : vector<64x1x128xi1> to vector<64x1x128xi1>
    %broadcast_in_dim3A_583 = vector.broadcast %broadcast_in_dim3A_582 : vector<64x1x128xi1> to vector<64x16x128xi1>
    %select_n3A_584 = arith.select %broadcast_in_dim3A_583, %reshape3A_568, %select_n3A_578 : vector<64x16x128xi1>, vector<64x16x128xf32>
    %add3A_585 = vector.broadcast %slice3A_526 : vector<64x1x128xf32> to vector<64x16x128xf32>
    %add3A_586 = arith.addf %select_n3A_584, %add3A_585 : vector<64x16x128xf32>
    %mul3A_587 = arith.mulf %add3A_586, %reshape3A_516 : vector<64x16x128xf32>
    %reshape3A_588 = vector.shape_cast %mul3A_587 : vector<64x16x128xf32> to vector<32x2x16x128xf32>
    %slice3A_589 = vector.extract_strided_slice %reshape3A_588 {offsets = [0, 0, 0, 0], sizes = [32, 1, 16, 128], strides = [1, 1, 1, 1]} : vector<32x2x16x128xf32> to vector<32x1x16x128xf32>
    %squeeze3A_590 = vector.shape_cast %slice3A_589 : vector<32x1x16x128xf32> to vector<32x16x128xf32>
    %slice3A_591 = vector.extract_strided_slice %reshape3A_588 {offsets = [0, 1, 0, 0], sizes = [32, 1, 16, 128], strides = [1, 1, 1, 1]} : vector<32x2x16x128xf32> to vector<32x1x16x128xf32>
    %squeeze3A_592 = vector.shape_cast %slice3A_591 : vector<32x1x16x128xf32> to vector<32x16x128xf32>
    %add3A_593 = arith.addf %squeeze3A_590, %squeeze3A_592 : vector<32x16x128xf32>
    %reshape3A_594 = vector.shape_cast %add3A_593 : vector<32x16x128xf32> to vector<512x128xf32>
    %get3A_595 = arith.constant 31 : index
    %get3A_596 = arith.constant 0 : index
    %get3A_597 = arith.constant 0 : index
    %get3A_598 = vector.load %arg0[%get3A_595, %get3A_596, %get3A_597] : memref<2047x16x128xf32, #tpu.memory_space<vmem>>, vector<32x16x128xf32>
    %reshape3A_599 = vector.shape_cast %get3A_598 : vector<32x16x128xf32> to vector<512x128xf32>
    %reshape3A_600 = vector.shape_cast %add3A_561 : vector<32x16x128xf32> to vector<512x128xf32>
    %get3A_601 = arith.constant 0 : index
    %get3A_602 = arith.constant 0 : index
    %get3A_603 = vector.load %arg5[%get3A_601, %get3A_602] : memref<128x384xf32, #tpu.memory_space<vmem>>, vector<128x384xf32>
    %dot_general3A_604 = arith.constant dense<0.000000e+00> : vector<512x384xf32>
    %dot_general3A_605 = tpu.matmul %reshape3A_599, %get3A_603, %dot_general3A_604 {dimension_numbers = #tpu.dot_dimension_numbers<[1], [0], [0], [1], [0, 0, 1, 1], [], []>, transpose_lhs_hint = false} : vector<512x128xf32>, vector<128x384xf32>, vector<512x384xf32> -> vector<512x384xf32>
    %get3A_606 = arith.constant 0 : index
    %get3A_607 = arith.constant 0 : index
    %get3A_608 = vector.load %arg6[%get3A_606, %get3A_607] : memref<128x384xf32, #tpu.memory_space<vmem>>, vector<128x384xf32>
    %dot_general3A_609 = arith.constant dense<0.000000e+00> : vector<512x384xf32>
    %dot_general3A_610 = tpu.matmul %reshape3A_600, %get3A_608, %dot_general3A_609 {dimension_numbers = #tpu.dot_dimension_numbers<[1], [0], [0], [1], [0, 0, 1, 1], [], []>, transpose_lhs_hint = false} : vector<512x128xf32>, vector<128x384xf32>, vector<512x384xf32> -> vector<512x384xf32>
    %add3A_611 = arith.addf %dot_general3A_605, %dot_general3A_610 : vector<512x384xf32>
    %get3A_612 = arith.constant 0 : index
    %get3A_613 = arith.constant 0 : index
    %get3A_614 = vector.load %arg7[%get3A_612, %get3A_613] : memref<1x384xf32, #tpu.memory_space<vmem>>, vector<1x384xf32>
    %add3A_615 = vector.broadcast %get3A_614 : vector<1x384xf32> to vector<512x384xf32>
    %add3A_616 = arith.addf %add3A_611, %add3A_615 : vector<512x384xf32>
    %slice3A_617 = vector.extract_strided_slice %add3A_616 {offsets = [0, 0], sizes = [512, 128], strides = [1, 1]} : vector<512x384xf32> to vector<512x128xf32>
    %logistic3A_618 = arith.negf %slice3A_617 : vector<512x128xf32>
    %logistic3A_619 = math.exp %logistic3A_618 : vector<512x128xf32>
    %logistic3A_620 = arith.constant 1.000000e+00 : f32
    %logistic3A_621 = vector.broadcast %logistic3A_620 : f32 to vector<512x128xf32>
    %logistic3A_622 = arith.addf %logistic3A_621, %logistic3A_619 : vector<512x128xf32>
    %logistic3A_623 = arith.divf %logistic3A_621, %logistic3A_622 : vector<512x128xf32>
    %slice3A_624 = vector.extract_strided_slice %add3A_616 {offsets = [0, 128], sizes = [512, 128], strides = [1, 1]} : vector<512x384xf32> to vector<512x128xf32>
    %logistic3A_625 = arith.negf %slice3A_624 : vector<512x128xf32>
    %logistic3A_626 = math.exp %logistic3A_625 : vector<512x128xf32>
    %logistic3A_627 = arith.constant 1.000000e+00 : f32
    %logistic3A_628 = vector.broadcast %logistic3A_627 : f32 to vector<512x128xf32>
    %logistic3A_629 = arith.addf %logistic3A_628, %logistic3A_626 : vector<512x128xf32>
    %logistic3A_630 = arith.divf %logistic3A_628, %logistic3A_629 : vector<512x128xf32>
    %slice3A_631 = vector.extract_strided_slice %add3A_616 {offsets = [0, 256], sizes = [512, 128], strides = [1, 1]} : vector<512x384xf32> to vector<512x128xf32>
    %tanh3A_632 = math.tanh %slice3A_631 : vector<512x128xf32>
    %mul3A_633 = arith.mulf %logistic3A_623, %tanh3A_632 : vector<512x128xf32>
    %add3A_634 = arith.addf %mul3A_633, %reshape3A_594 : vector<512x128xf32>
    %tanh3A_635 = math.tanh %add3A_634 : vector<512x128xf32>
    %mul3A_636 = arith.mulf %logistic3A_630, %tanh3A_635 : vector<512x128xf32>
    %reshape3A_637 = vector.shape_cast %mul3A_636 : vector<512x128xf32> to vector<32x16x128xf32>
    %reshape3A_638 = vector.shape_cast %add3A_634 : vector<512x128xf32> to vector<32x16x128xf32>
    %get3A_639 = arith.constant 31 : index
    %get3A_640 = arith.constant 0 : index
    %get3A_641 = arith.constant 0 : index
    %get3A_642 = vector.load %arg1[%get3A_639, %get3A_640, %get3A_641] : memref<2047x1x128xi32, #tpu.memory_space<vmem>>, vector<32x1x128xi32>
    %get3A_643 = arith.constant 31 : index
    %get3A_644 = arith.constant 0 : index
    %get3A_645 = arith.constant 0 : index
    %get3A_646 = vector.load %arg2[%get3A_643, %get3A_644, %get3A_645] : memref<2048x1x256xf32, #tpu.memory_space<vmem>>, vector<32x1x256xf32>
    %slice3A_647 = vector.extract_strided_slice %get3A_646 {offsets = [0, 0, 0], sizes = [32, 1, 128], strides = [1, 1, 1]} : vector<32x1x256xf32> to vector<32x1x128xf32>
    %slice3A_648 = vector.extract_strided_slice %get3A_646 {offsets = [0, 0, 128], sizes = [32, 1, 128], strides = [1, 1, 1]} : vector<32x1x256xf32> to vector<32x1x128xf32>
    %mul3A_649 = vector.broadcast %reshape3A_32 : vector<1x1x128xf32> to vector<32x16x128xf32>
    %mul3A_650 = arith.mulf %reshape3A_637, %mul3A_649 : vector<32x16x128xf32>
    %reduce_sum3A_651 = arith.constant dense<0.000000e+00> : vector<32x16xf32>
    %reduce_sum3A_652 = vector.multi_reduction <add>, %mul3A_650, %reduce_sum3A_651 [2] : vector<32x16x128xf32> to vector<32x16xf32>
    %broadcast_in_dim3A_653 = vector.shape_cast %reduce_sum3A_652 : vector<32x16xf32> to vector<32x16x1xf32>
    %mul3A_654 = vector.broadcast %reshape3A_32 : vector<1x1x128xf32> to vector<32x1x128xf32>
    %mul3A_655 = arith.mulf %slice3A_647, %mul3A_654 : vector<32x1x128xf32>
    %reduce_sum3A_656 = arith.constant dense<0.000000e+00> : vector<32x1xf32>
    %reduce_sum3A_657 = vector.multi_reduction <add>, %mul3A_655, %reduce_sum3A_656 [2] : vector<32x1x128xf32> to vector<32x1xf32>
    %broadcast_in_dim3A_658 = vector.shape_cast %reduce_sum3A_657 : vector<32x1xf32> to vector<32x1x1xf32>
    %add3A_659 = vector.broadcast %broadcast_in_dim3A_658 : vector<32x1x1xf32> to vector<32x16x1xf32>
    %add3A_660 = arith.addf %broadcast_in_dim3A_653, %add3A_659 : vector<32x16x1xf32>
    %reshape3A_661 = vector.shape_cast %add3A_660 : vector<32x16x1xf32> to vector<16x2x16x1xf32>
    %slice3A_662 = vector.extract_strided_slice %reshape3A_661 {offsets = [0, 0, 0, 0], sizes = [16, 1, 16, 1], strides = [1, 1, 1, 1]} : vector<16x2x16x1xf32> to vector<16x1x16x1xf32>
    %squeeze3A_663 = vector.shape_cast %slice3A_662 : vector<16x1x16x1xf32> to vector<16x16x1xf32>
    %slice3A_664 = vector.extract_strided_slice %reshape3A_661 {offsets = [0, 1, 0, 0], sizes = [16, 1, 16, 1], strides = [1, 1, 1, 1]} : vector<16x2x16x1xf32> to vector<16x1x16x1xf32>
    %squeeze3A_665 = vector.shape_cast %slice3A_664 : vector<16x1x16x1xf32> to vector<16x16x1xf32>
    %sub3A_666 = arith.subf %squeeze3A_663, %squeeze3A_665 : vector<16x16x1xf32>
    %logistic3A_667 = arith.negf %sub3A_666 : vector<16x16x1xf32>
    %logistic3A_668 = math.exp %logistic3A_667 : vector<16x16x1xf32>
    %logistic3A_669 = arith.constant 1.000000e+00 : f32
    %logistic3A_670 = vector.broadcast %logistic3A_669 : f32 to vector<16x16x1xf32>
    %logistic3A_671 = arith.addf %logistic3A_670, %logistic3A_668 : vector<16x16x1xf32>
    %logistic3A_672 = arith.divf %logistic3A_670, %logistic3A_671 : vector<16x16x1xf32>
    %reshape3A_673 = vector.shape_cast %reshape3A_637 : vector<32x16x128xf32> to vector<16x2x16x128xf32>
    %slice3A_674 = vector.extract_strided_slice %reshape3A_673 {offsets = [0, 1, 0, 0], sizes = [16, 1, 16, 128], strides = [1, 1, 1, 1]} : vector<16x2x16x128xf32> to vector<16x1x16x128xf32>
    %squeeze3A_675 = vector.shape_cast %slice3A_674 : vector<16x1x16x128xf32> to vector<16x16x128xf32>
    %slice3A_676 = vector.extract_strided_slice %reshape3A_673 {offsets = [0, 0, 0, 0], sizes = [16, 1, 16, 128], strides = [1, 1, 1, 1]} : vector<16x2x16x128xf32> to vector<16x1x16x128xf32>
    %squeeze3A_677 = vector.shape_cast %slice3A_676 : vector<16x1x16x128xf32> to vector<16x16x128xf32>
    %slice3A_678 = vector.extract_strided_slice %reshape3A_673 {offsets = [0, 1, 0, 0], sizes = [16, 1, 16, 128], strides = [1, 1, 1, 1]} : vector<16x2x16x128xf32> to vector<16x1x16x128xf32>
    %squeeze3A_679 = vector.shape_cast %slice3A_678 : vector<16x1x16x128xf32> to vector<16x16x128xf32>
    %sub3A_680 = arith.subf %squeeze3A_677, %squeeze3A_679 : vector<16x16x128xf32>
    %mul3A_681 = vector.broadcast %logistic3A_672 : vector<16x16x1xf32> to vector<16x16x128xf32>
    %mul3A_682 = arith.mulf %mul3A_681, %sub3A_680 : vector<16x16x128xf32>
    %add3A_683 = arith.addf %squeeze3A_675, %mul3A_682 : vector<16x16x128xf32>
    %get3A_684 = arith.constant 0 : index
    %get3A_685 = arith.constant 0 : index
    %get3A_686 = vector.load %arg4[%get3A_684, %get3A_685] : memref<128x384xf32, #tpu.memory_space<vmem>>, vector<128x384xf32>
    %dot_general3A_687 = arith.constant dense<0.000000e+00> : vector<512x384xf32>
    %dot_general3A_688 = tpu.matmul %mul3A_636, %get3A_686, %dot_general3A_687 {dimension_numbers = #tpu.dot_dimension_numbers<[1], [0], [0], [1], [0, 0, 1, 1], [], []>, transpose_lhs_hint = false} : vector<512x128xf32>, vector<128x384xf32>, vector<512x384xf32> -> vector<512x384xf32>
    %slice3A_689 = vector.extract_strided_slice %dot_general3A_688 {offsets = [0, 0], sizes = [512, 128], strides = [1, 1]} : vector<512x384xf32> to vector<512x128xf32>
    %reshape3A_690 = vector.shape_cast %slice3A_689 : vector<512x128xf32> to vector<32x16x128xf32>
    %slice3A_691 = vector.extract_strided_slice %dot_general3A_688 {offsets = [0, 128], sizes = [512, 128], strides = [1, 1]} : vector<512x384xf32> to vector<512x128xf32>
    %reshape3A_692 = vector.shape_cast %slice3A_691 : vector<512x128xf32> to vector<32x16x128xf32>
    %slice3A_693 = vector.extract_strided_slice %dot_general3A_688 {offsets = [0, 256], sizes = [512, 128], strides = [1, 1]} : vector<512x384xf32> to vector<512x128xf32>
    %reshape3A_694 = vector.shape_cast %slice3A_693 : vector<512x128xf32> to vector<32x16x128xf32>
    %eq3A_695 = arith.constant 1 : i32
    %eq3A_696 = vector.broadcast %eq3A_695 : i32 to vector<32x1x128xi32>
    %eq3A_697 = arith.cmpi eq, %get3A_642, %eq3A_696 : vector<32x1x128xi32>
    %broadcast_in_dim3A_698 = vector.shape_cast %eq3A_697 : vector<32x1x128xi1> to vector<32x1x128xi1>
    %broadcast_in_dim3A_699 = vector.broadcast %broadcast_in_dim3A_698 : vector<32x1x128xi1> to vector<32x16x128xi1>
    %select_n3A_700 = arith.select %broadcast_in_dim3A_699, %reshape3A_692, %reshape3A_694 : vector<32x16x128xi1>, vector<32x16x128xf32>
    %eq3A_701 = arith.constant 0 : i32
    %eq3A_702 = vector.broadcast %eq3A_701 : i32 to vector<32x1x128xi32>
    %eq3A_703 = arith.cmpi eq, %get3A_642, %eq3A_702 : vector<32x1x128xi32>
    %broadcast_in_dim3A_704 = vector.shape_cast %eq3A_703 : vector<32x1x128xi1> to vector<32x1x128xi1>
    %broadcast_in_dim3A_705 = vector.broadcast %broadcast_in_dim3A_704 : vector<32x1x128xi1> to vector<32x16x128xi1>
    %select_n3A_706 = arith.select %broadcast_in_dim3A_705, %reshape3A_690, %select_n3A_700 : vector<32x16x128xi1>, vector<32x16x128xf32>
    %add3A_707 = vector.broadcast %slice3A_648 : vector<32x1x128xf32> to vector<32x16x128xf32>
    %add3A_708 = arith.addf %select_n3A_706, %add3A_707 : vector<32x16x128xf32>
    %mul3A_709 = arith.mulf %add3A_708, %reshape3A_638 : vector<32x16x128xf32>
    %reshape3A_710 = vector.shape_cast %mul3A_709 : vector<32x16x128xf32> to vector<16x2x16x128xf32>
    %slice3A_711 = vector.extract_strided_slice %reshape3A_710 {offsets = [0, 0, 0, 0], sizes = [16, 1, 16, 128], strides = [1, 1, 1, 1]} : vector<16x2x16x128xf32> to vector<16x1x16x128xf32>
    %squeeze3A_712 = vector.shape_cast %slice3A_711 : vector<16x1x16x128xf32> to vector<16x16x128xf32>
    %slice3A_713 = vector.extract_strided_slice %reshape3A_710 {offsets = [0, 1, 0, 0], sizes = [16, 1, 16, 128], strides = [1, 1, 1, 1]} : vector<16x2x16x128xf32> to vector<16x1x16x128xf32>
    %squeeze3A_714 = vector.shape_cast %slice3A_713 : vector<16x1x16x128xf32> to vector<16x16x128xf32>
    %add3A_715 = arith.addf %squeeze3A_712, %squeeze3A_714 : vector<16x16x128xf32>
    %reshape3A_716 = vector.shape_cast %add3A_715 : vector<16x16x128xf32> to vector<256x128xf32>
    %get3A_717 = arith.constant 15 : index
    %get3A_718 = arith.constant 0 : index
    %get3A_719 = arith.constant 0 : index
    %get3A_720 = vector.load %arg0[%get3A_717, %get3A_718, %get3A_719] : memref<2047x16x128xf32, #tpu.memory_space<vmem>>, vector<16x16x128xf32>
    %reshape3A_721 = vector.shape_cast %get3A_720 : vector<16x16x128xf32> to vector<256x128xf32>
    %reshape3A_722 = vector.shape_cast %add3A_683 : vector<16x16x128xf32> to vector<256x128xf32>
    %get3A_723 = arith.constant 0 : index
    %get3A_724 = arith.constant 0 : index
    %get3A_725 = vector.load %arg5[%get3A_723, %get3A_724] : memref<128x384xf32, #tpu.memory_space<vmem>>, vector<128x384xf32>
    %dot_general3A_726 = arith.constant dense<0.000000e+00> : vector<256x384xf32>
    %dot_general3A_727 = tpu.matmul %reshape3A_721, %get3A_725, %dot_general3A_726 {dimension_numbers = #tpu.dot_dimension_numbers<[1], [0], [0], [1], [0, 0, 1, 1], [], []>, transpose_lhs_hint = false} : vector<256x128xf32>, vector<128x384xf32>, vector<256x384xf32> -> vector<256x384xf32>
    %get3A_728 = arith.constant 0 : index
    %get3A_729 = arith.constant 0 : index
    %get3A_730 = vector.load %arg6[%get3A_728, %get3A_729] : memref<128x384xf32, #tpu.memory_space<vmem>>, vector<128x384xf32>
    %dot_general3A_731 = arith.constant dense<0.000000e+00> : vector<256x384xf32>
    %dot_general3A_732 = tpu.matmul %reshape3A_722, %get3A_730, %dot_general3A_731 {dimension_numbers = #tpu.dot_dimension_numbers<[1], [0], [0], [1], [0, 0, 1, 1], [], []>, transpose_lhs_hint = false} : vector<256x128xf32>, vector<128x384xf32>, vector<256x384xf32> -> vector<256x384xf32>
    %add3A_733 = arith.addf %dot_general3A_727, %dot_general3A_732 : vector<256x384xf32>
    %get3A_734 = arith.constant 0 : index
    %get3A_735 = arith.constant 0 : index
    %get3A_736 = vector.load %arg7[%get3A_734, %get3A_735] : memref<1x384xf32, #tpu.memory_space<vmem>>, vector<1x384xf32>
    %add3A_737 = vector.broadcast %get3A_736 : vector<1x384xf32> to vector<256x384xf32>
    %add3A_738 = arith.addf %add3A_733, %add3A_737 : vector<256x384xf32>
    %slice3A_739 = vector.extract_strided_slice %add3A_738 {offsets = [0, 0], sizes = [256, 128], strides = [1, 1]} : vector<256x384xf32> to vector<256x128xf32>
    %logistic3A_740 = arith.negf %slice3A_739 : vector<256x128xf32>
    %logistic3A_741 = math.exp %logistic3A_740 : vector<256x128xf32>
    %logistic3A_742 = arith.constant 1.000000e+00 : f32
    %logistic3A_743 = vector.broadcast %logistic3A_742 : f32 to vector<256x128xf32>
    %logistic3A_744 = arith.addf %logistic3A_743, %logistic3A_741 : vector<256x128xf32>
    %logistic3A_745 = arith.divf %logistic3A_743, %logistic3A_744 : vector<256x128xf32>
    %slice3A_746 = vector.extract_strided_slice %add3A_738 {offsets = [0, 128], sizes = [256, 128], strides = [1, 1]} : vector<256x384xf32> to vector<256x128xf32>
    %logistic3A_747 = arith.negf %slice3A_746 : vector<256x128xf32>
    %logistic3A_748 = math.exp %logistic3A_747 : vector<256x128xf32>
    %logistic3A_749 = arith.constant 1.000000e+00 : f32
    %logistic3A_750 = vector.broadcast %logistic3A_749 : f32 to vector<256x128xf32>
    %logistic3A_751 = arith.addf %logistic3A_750, %logistic3A_748 : vector<256x128xf32>
    %logistic3A_752 = arith.divf %logistic3A_750, %logistic3A_751 : vector<256x128xf32>
    %slice3A_753 = vector.extract_strided_slice %add3A_738 {offsets = [0, 256], sizes = [256, 128], strides = [1, 1]} : vector<256x384xf32> to vector<256x128xf32>
    %tanh3A_754 = math.tanh %slice3A_753 : vector<256x128xf32>
    %mul3A_755 = arith.mulf %logistic3A_745, %tanh3A_754 : vector<256x128xf32>
    %add3A_756 = arith.addf %mul3A_755, %reshape3A_716 : vector<256x128xf32>
    %tanh3A_757 = math.tanh %add3A_756 : vector<256x128xf32>
    %mul3A_758 = arith.mulf %logistic3A_752, %tanh3A_757 : vector<256x128xf32>
    %reshape3A_759 = vector.shape_cast %mul3A_758 : vector<256x128xf32> to vector<16x16x128xf32>
    %reshape3A_760 = vector.shape_cast %add3A_756 : vector<256x128xf32> to vector<16x16x128xf32>
    %get3A_761 = arith.constant 15 : index
    %get3A_762 = arith.constant 0 : index
    %get3A_763 = arith.constant 0 : index
    %get3A_764 = vector.load %arg1[%get3A_761, %get3A_762, %get3A_763] : memref<2047x1x128xi32, #tpu.memory_space<vmem>>, vector<16x1x128xi32>
    %get3A_765 = arith.constant 15 : index
    %get3A_766 = arith.constant 0 : index
    %get3A_767 = arith.constant 0 : index
    %get3A_768 = vector.load %arg2[%get3A_765, %get3A_766, %get3A_767] : memref<2048x1x256xf32, #tpu.memory_space<vmem>>, vector<16x1x256xf32>
    %slice3A_769 = vector.extract_strided_slice %get3A_768 {offsets = [0, 0, 0], sizes = [16, 1, 128], strides = [1, 1, 1]} : vector<16x1x256xf32> to vector<16x1x128xf32>
    %slice3A_770 = vector.extract_strided_slice %get3A_768 {offsets = [0, 0, 128], sizes = [16, 1, 128], strides = [1, 1, 1]} : vector<16x1x256xf32> to vector<16x1x128xf32>
    %mul3A_771 = vector.broadcast %reshape3A_32 : vector<1x1x128xf32> to vector<16x16x128xf32>
    %mul3A_772 = arith.mulf %reshape3A_759, %mul3A_771 : vector<16x16x128xf32>
    %reduce_sum3A_773 = arith.constant dense<0.000000e+00> : vector<16x16xf32>
    %reduce_sum3A_774 = vector.multi_reduction <add>, %mul3A_772, %reduce_sum3A_773 [2] : vector<16x16x128xf32> to vector<16x16xf32>
    %broadcast_in_dim3A_775 = vector.shape_cast %reduce_sum3A_774 : vector<16x16xf32> to vector<16x16x1xf32>
    %mul3A_776 = vector.broadcast %reshape3A_32 : vector<1x1x128xf32> to vector<16x1x128xf32>
    %mul3A_777 = arith.mulf %slice3A_769, %mul3A_776 : vector<16x1x128xf32>
    %reduce_sum3A_778 = arith.constant dense<0.000000e+00> : vector<16x1xf32>
    %reduce_sum3A_779 = vector.multi_reduction <add>, %mul3A_777, %reduce_sum3A_778 [2] : vector<16x1x128xf32> to vector<16x1xf32>
    %broadcast_in_dim3A_780 = vector.shape_cast %reduce_sum3A_779 : vector<16x1xf32> to vector<16x1x1xf32>
    %add3A_781 = vector.broadcast %broadcast_in_dim3A_780 : vector<16x1x1xf32> to vector<16x16x1xf32>
    %add3A_782 = arith.addf %broadcast_in_dim3A_775, %add3A_781 : vector<16x16x1xf32>
    %reshape3A_783 = vector.shape_cast %add3A_782 : vector<16x16x1xf32> to vector<8x2x16x1xf32>
    %slice3A_784 = vector.extract_strided_slice %reshape3A_783 {offsets = [0, 0, 0, 0], sizes = [8, 1, 16, 1], strides = [1, 1, 1, 1]} : vector<8x2x16x1xf32> to vector<8x1x16x1xf32>
    %squeeze3A_785 = vector.shape_cast %slice3A_784 : vector<8x1x16x1xf32> to vector<8x16x1xf32>
    %slice3A_786 = vector.extract_strided_slice %reshape3A_783 {offsets = [0, 1, 0, 0], sizes = [8, 1, 16, 1], strides = [1, 1, 1, 1]} : vector<8x2x16x1xf32> to vector<8x1x16x1xf32>
    %squeeze3A_787 = vector.shape_cast %slice3A_786 : vector<8x1x16x1xf32> to vector<8x16x1xf32>
    %sub3A_788 = arith.subf %squeeze3A_785, %squeeze3A_787 : vector<8x16x1xf32>
    %logistic3A_789 = arith.negf %sub3A_788 : vector<8x16x1xf32>
    %logistic3A_790 = math.exp %logistic3A_789 : vector<8x16x1xf32>
    %logistic3A_791 = arith.constant 1.000000e+00 : f32
    %logistic3A_792 = vector.broadcast %logistic3A_791 : f32 to vector<8x16x1xf32>
    %logistic3A_793 = arith.addf %logistic3A_792, %logistic3A_790 : vector<8x16x1xf32>
    %logistic3A_794 = arith.divf %logistic3A_792, %logistic3A_793 : vector<8x16x1xf32>
    %reshape3A_795 = vector.shape_cast %reshape3A_759 : vector<16x16x128xf32> to vector<8x2x16x128xf32>
    %slice3A_796 = vector.extract_strided_slice %reshape3A_795 {offsets = [0, 1, 0, 0], sizes = [8, 1, 16, 128], strides = [1, 1, 1, 1]} : vector<8x2x16x128xf32> to vector<8x1x16x128xf32>
    %squeeze3A_797 = vector.shape_cast %slice3A_796 : vector<8x1x16x128xf32> to vector<8x16x128xf32>
    %slice3A_798 = vector.extract_strided_slice %reshape3A_795 {offsets = [0, 0, 0, 0], sizes = [8, 1, 16, 128], strides = [1, 1, 1, 1]} : vector<8x2x16x128xf32> to vector<8x1x16x128xf32>
    %squeeze3A_799 = vector.shape_cast %slice3A_798 : vector<8x1x16x128xf32> to vector<8x16x128xf32>
    %slice3A_800 = vector.extract_strided_slice %reshape3A_795 {offsets = [0, 1, 0, 0], sizes = [8, 1, 16, 128], strides = [1, 1, 1, 1]} : vector<8x2x16x128xf32> to vector<8x1x16x128xf32>
    %squeeze3A_801 = vector.shape_cast %slice3A_800 : vector<8x1x16x128xf32> to vector<8x16x128xf32>
    %sub3A_802 = arith.subf %squeeze3A_799, %squeeze3A_801 : vector<8x16x128xf32>
    %mul3A_803 = vector.broadcast %logistic3A_794 : vector<8x16x1xf32> to vector<8x16x128xf32>
    %mul3A_804 = arith.mulf %mul3A_803, %sub3A_802 : vector<8x16x128xf32>
    %add3A_805 = arith.addf %squeeze3A_797, %mul3A_804 : vector<8x16x128xf32>
    %get3A_806 = arith.constant 0 : index
    %get3A_807 = arith.constant 0 : index
    %get3A_808 = vector.load %arg4[%get3A_806, %get3A_807] : memref<128x384xf32, #tpu.memory_space<vmem>>, vector<128x384xf32>
    %dot_general3A_809 = arith.constant dense<0.000000e+00> : vector<256x384xf32>
    %dot_general3A_810 = tpu.matmul %mul3A_758, %get3A_808, %dot_general3A_809 {dimension_numbers = #tpu.dot_dimension_numbers<[1], [0], [0], [1], [0, 0, 1, 1], [], []>, transpose_lhs_hint = false} : vector<256x128xf32>, vector<128x384xf32>, vector<256x384xf32> -> vector<256x384xf32>
    %slice3A_811 = vector.extract_strided_slice %dot_general3A_810 {offsets = [0, 0], sizes = [256, 128], strides = [1, 1]} : vector<256x384xf32> to vector<256x128xf32>
    %reshape3A_812 = vector.shape_cast %slice3A_811 : vector<256x128xf32> to vector<16x16x128xf32>
    %slice3A_813 = vector.extract_strided_slice %dot_general3A_810 {offsets = [0, 128], sizes = [256, 128], strides = [1, 1]} : vector<256x384xf32> to vector<256x128xf32>
    %reshape3A_814 = vector.shape_cast %slice3A_813 : vector<256x128xf32> to vector<16x16x128xf32>
    %slice3A_815 = vector.extract_strided_slice %dot_general3A_810 {offsets = [0, 256], sizes = [256, 128], strides = [1, 1]} : vector<256x384xf32> to vector<256x128xf32>
    %reshape3A_816 = vector.shape_cast %slice3A_815 : vector<256x128xf32> to vector<16x16x128xf32>
    %eq3A_817 = arith.constant 1 : i32
    %eq3A_818 = vector.broadcast %eq3A_817 : i32 to vector<16x1x128xi32>
    %eq3A_819 = arith.cmpi eq, %get3A_764, %eq3A_818 : vector<16x1x128xi32>
    %broadcast_in_dim3A_820 = vector.shape_cast %eq3A_819 : vector<16x1x128xi1> to vector<16x1x128xi1>
    %broadcast_in_dim3A_821 = vector.broadcast %broadcast_in_dim3A_820 : vector<16x1x128xi1> to vector<16x16x128xi1>
    %select_n3A_822 = arith.select %broadcast_in_dim3A_821, %reshape3A_814, %reshape3A_816 : vector<16x16x128xi1>, vector<16x16x128xf32>
    %eq3A_823 = arith.constant 0 : i32
    %eq3A_824 = vector.broadcast %eq3A_823 : i32 to vector<16x1x128xi32>
    %eq3A_825 = arith.cmpi eq, %get3A_764, %eq3A_824 : vector<16x1x128xi32>
    %broadcast_in_dim3A_826 = vector.shape_cast %eq3A_825 : vector<16x1x128xi1> to vector<16x1x128xi1>
    %broadcast_in_dim3A_827 = vector.broadcast %broadcast_in_dim3A_826 : vector<16x1x128xi1> to vector<16x16x128xi1>
    %select_n3A_828 = arith.select %broadcast_in_dim3A_827, %reshape3A_812, %select_n3A_822 : vector<16x16x128xi1>, vector<16x16x128xf32>
    %add3A_829 = vector.broadcast %slice3A_770 : vector<16x1x128xf32> to vector<16x16x128xf32>
    %add3A_830 = arith.addf %select_n3A_828, %add3A_829 : vector<16x16x128xf32>
    %mul3A_831 = arith.mulf %add3A_830, %reshape3A_760 : vector<16x16x128xf32>
    %reshape3A_832 = vector.shape_cast %mul3A_831 : vector<16x16x128xf32> to vector<8x2x16x128xf32>
    %slice3A_833 = vector.extract_strided_slice %reshape3A_832 {offsets = [0, 0, 0, 0], sizes = [8, 1, 16, 128], strides = [1, 1, 1, 1]} : vector<8x2x16x128xf32> to vector<8x1x16x128xf32>
    %squeeze3A_834 = vector.shape_cast %slice3A_833 : vector<8x1x16x128xf32> to vector<8x16x128xf32>
    %slice3A_835 = vector.extract_strided_slice %reshape3A_832 {offsets = [0, 1, 0, 0], sizes = [8, 1, 16, 128], strides = [1, 1, 1, 1]} : vector<8x2x16x128xf32> to vector<8x1x16x128xf32>
    %squeeze3A_836 = vector.shape_cast %slice3A_835 : vector<8x1x16x128xf32> to vector<8x16x128xf32>
    %add3A_837 = arith.addf %squeeze3A_834, %squeeze3A_836 : vector<8x16x128xf32>
    %reshape3A_838 = vector.shape_cast %add3A_837 : vector<8x16x128xf32> to vector<128x128xf32>
    %get3A_839 = arith.constant 7 : index
    %get3A_840 = arith.constant 0 : index
    %get3A_841 = arith.constant 0 : index
    %get3A_842 = vector.load %arg0[%get3A_839, %get3A_840, %get3A_841] : memref<2047x16x128xf32, #tpu.memory_space<vmem>>, vector<8x16x128xf32>
    %reshape3A_843 = vector.shape_cast %get3A_842 : vector<8x16x128xf32> to vector<128x128xf32>
    %reshape3A_844 = vector.shape_cast %add3A_805 : vector<8x16x128xf32> to vector<128x128xf32>
    %get3A_845 = arith.constant 0 : index
    %get3A_846 = arith.constant 0 : index
    %get3A_847 = vector.load %arg5[%get3A_845, %get3A_846] : memref<128x384xf32, #tpu.memory_space<vmem>>, vector<128x384xf32>
    %dot_general3A_848 = arith.constant dense<0.000000e+00> : vector<128x384xf32>
    %dot_general3A_849 = tpu.matmul %reshape3A_843, %get3A_847, %dot_general3A_848 {dimension_numbers = #tpu.dot_dimension_numbers<[1], [0], [0], [1], [0, 0, 1, 1], [], []>, transpose_lhs_hint = false} : vector<128x128xf32>, vector<128x384xf32>, vector<128x384xf32> -> vector<128x384xf32>
    %get3A_850 = arith.constant 0 : index
    %get3A_851 = arith.constant 0 : index
    %get3A_852 = vector.load %arg6[%get3A_850, %get3A_851] : memref<128x384xf32, #tpu.memory_space<vmem>>, vector<128x384xf32>
    %dot_general3A_853 = arith.constant dense<0.000000e+00> : vector<128x384xf32>
    %dot_general3A_854 = tpu.matmul %reshape3A_844, %get3A_852, %dot_general3A_853 {dimension_numbers = #tpu.dot_dimension_numbers<[1], [0], [0], [1], [0, 0, 1, 1], [], []>, transpose_lhs_hint = false} : vector<128x128xf32>, vector<128x384xf32>, vector<128x384xf32> -> vector<128x384xf32>
    %add3A_855 = arith.addf %dot_general3A_849, %dot_general3A_854 : vector<128x384xf32>
    %get3A_856 = arith.constant 0 : index
    %get3A_857 = arith.constant 0 : index
    %get3A_858 = vector.load %arg7[%get3A_856, %get3A_857] : memref<1x384xf32, #tpu.memory_space<vmem>>, vector<1x384xf32>
    %add3A_859 = vector.broadcast %get3A_858 : vector<1x384xf32> to vector<128x384xf32>
    %add3A_860 = arith.addf %add3A_855, %add3A_859 : vector<128x384xf32>
    %slice3A_861 = vector.extract_strided_slice %add3A_860 {offsets = [0, 0], sizes = [128, 128], strides = [1, 1]} : vector<128x384xf32> to vector<128x128xf32>
    %logistic3A_862 = arith.negf %slice3A_861 : vector<128x128xf32>
    %logistic3A_863 = math.exp %logistic3A_862 : vector<128x128xf32>
    %logistic3A_864 = arith.constant 1.000000e+00 : f32
    %logistic3A_865 = vector.broadcast %logistic3A_864 : f32 to vector<128x128xf32>
    %logistic3A_866 = arith.addf %logistic3A_865, %logistic3A_863 : vector<128x128xf32>
    %logistic3A_867 = arith.divf %logistic3A_865, %logistic3A_866 : vector<128x128xf32>
    %slice3A_868 = vector.extract_strided_slice %add3A_860 {offsets = [0, 128], sizes = [128, 128], strides = [1, 1]} : vector<128x384xf32> to vector<128x128xf32>
    %logistic3A_869 = arith.negf %slice3A_868 : vector<128x128xf32>
    %logistic3A_870 = math.exp %logistic3A_869 : vector<128x128xf32>
    %logistic3A_871 = arith.constant 1.000000e+00 : f32
    %logistic3A_872 = vector.broadcast %logistic3A_871 : f32 to vector<128x128xf32>
    %logistic3A_873 = arith.addf %logistic3A_872, %logistic3A_870 : vector<128x128xf32>
    %logistic3A_874 = arith.divf %logistic3A_872, %logistic3A_873 : vector<128x128xf32>
    %slice3A_875 = vector.extract_strided_slice %add3A_860 {offsets = [0, 256], sizes = [128, 128], strides = [1, 1]} : vector<128x384xf32> to vector<128x128xf32>
    %tanh3A_876 = math.tanh %slice3A_875 : vector<128x128xf32>
    %mul3A_877 = arith.mulf %logistic3A_867, %tanh3A_876 : vector<128x128xf32>
    %add3A_878 = arith.addf %mul3A_877, %reshape3A_838 : vector<128x128xf32>
    %tanh3A_879 = math.tanh %add3A_878 : vector<128x128xf32>
    %mul3A_880 = arith.mulf %logistic3A_874, %tanh3A_879 : vector<128x128xf32>
    %reshape3A_881 = vector.shape_cast %mul3A_880 : vector<128x128xf32> to vector<8x16x128xf32>
    %reshape3A_882 = vector.shape_cast %add3A_878 : vector<128x128xf32> to vector<8x16x128xf32>
    %get3A_883 = arith.constant 7 : index
    %get3A_884 = arith.constant 0 : index
    %get3A_885 = arith.constant 0 : index
    %get3A_886 = vector.load %arg1[%get3A_883, %get3A_884, %get3A_885] : memref<2047x1x128xi32, #tpu.memory_space<vmem>>, vector<8x1x128xi32>
    %get3A_887 = arith.constant 7 : index
    %get3A_888 = arith.constant 0 : index
    %get3A_889 = arith.constant 0 : index
    %get3A_890 = vector.load %arg2[%get3A_887, %get3A_888, %get3A_889] : memref<2048x1x256xf32, #tpu.memory_space<vmem>>, vector<8x1x256xf32>
    %slice3A_891 = vector.extract_strided_slice %get3A_890 {offsets = [0, 0, 0], sizes = [8, 1, 128], strides = [1, 1, 1]} : vector<8x1x256xf32> to vector<8x1x128xf32>
    %slice3A_892 = vector.extract_strided_slice %get3A_890 {offsets = [0, 0, 128], sizes = [8, 1, 128], strides = [1, 1, 1]} : vector<8x1x256xf32> to vector<8x1x128xf32>
    %mul3A_893 = vector.broadcast %reshape3A_32 : vector<1x1x128xf32> to vector<8x16x128xf32>
    %mul3A_894 = arith.mulf %reshape3A_881, %mul3A_893 : vector<8x16x128xf32>
    %reduce_sum3A_895 = arith.constant dense<0.000000e+00> : vector<8x16xf32>
    %reduce_sum3A_896 = vector.multi_reduction <add>, %mul3A_894, %reduce_sum3A_895 [2] : vector<8x16x128xf32> to vector<8x16xf32>
    %broadcast_in_dim3A_897 = vector.shape_cast %reduce_sum3A_896 : vector<8x16xf32> to vector<8x16x1xf32>
    %mul3A_898 = vector.broadcast %reshape3A_32 : vector<1x1x128xf32> to vector<8x1x128xf32>
    %mul3A_899 = arith.mulf %slice3A_891, %mul3A_898 : vector<8x1x128xf32>
    %reduce_sum3A_900 = arith.constant dense<0.000000e+00> : vector<8x1xf32>
    %reduce_sum3A_901 = vector.multi_reduction <add>, %mul3A_899, %reduce_sum3A_900 [2] : vector<8x1x128xf32> to vector<8x1xf32>
    %broadcast_in_dim3A_902 = vector.shape_cast %reduce_sum3A_901 : vector<8x1xf32> to vector<8x1x1xf32>
    %add3A_903 = vector.broadcast %broadcast_in_dim3A_902 : vector<8x1x1xf32> to vector<8x16x1xf32>
    %add3A_904 = arith.addf %broadcast_in_dim3A_897, %add3A_903 : vector<8x16x1xf32>
    %reshape3A_905 = vector.shape_cast %add3A_904 : vector<8x16x1xf32> to vector<4x2x16x1xf32>
    %slice3A_906 = vector.extract_strided_slice %reshape3A_905 {offsets = [0, 0, 0, 0], sizes = [4, 1, 16, 1], strides = [1, 1, 1, 1]} : vector<4x2x16x1xf32> to vector<4x1x16x1xf32>
    %squeeze3A_907 = vector.shape_cast %slice3A_906 : vector<4x1x16x1xf32> to vector<4x16x1xf32>
    %slice3A_908 = vector.extract_strided_slice %reshape3A_905 {offsets = [0, 1, 0, 0], sizes = [4, 1, 16, 1], strides = [1, 1, 1, 1]} : vector<4x2x16x1xf32> to vector<4x1x16x1xf32>
    %squeeze3A_909 = vector.shape_cast %slice3A_908 : vector<4x1x16x1xf32> to vector<4x16x1xf32>
    %sub3A_910 = arith.subf %squeeze3A_907, %squeeze3A_909 : vector<4x16x1xf32>
    %logistic3A_911 = arith.negf %sub3A_910 : vector<4x16x1xf32>
    %logistic3A_912 = math.exp %logistic3A_911 : vector<4x16x1xf32>
    %logistic3A_913 = arith.constant 1.000000e+00 : f32
    %logistic3A_914 = vector.broadcast %logistic3A_913 : f32 to vector<4x16x1xf32>
    %logistic3A_915 = arith.addf %logistic3A_914, %logistic3A_912 : vector<4x16x1xf32>
    %logistic3A_916 = arith.divf %logistic3A_914, %logistic3A_915 : vector<4x16x1xf32>
    %reshape3A_917 = vector.shape_cast %reshape3A_881 : vector<8x16x128xf32> to vector<4x2x16x128xf32>
    %slice3A_918 = vector.extract_strided_slice %reshape3A_917 {offsets = [0, 1, 0, 0], sizes = [4, 1, 16, 128], strides = [1, 1, 1, 1]} : vector<4x2x16x128xf32> to vector<4x1x16x128xf32>
    %squeeze3A_919 = vector.shape_cast %slice3A_918 : vector<4x1x16x128xf32> to vector<4x16x128xf32>
    %slice3A_920 = vector.extract_strided_slice %reshape3A_917 {offsets = [0, 0, 0, 0], sizes = [4, 1, 16, 128], strides = [1, 1, 1, 1]} : vector<4x2x16x128xf32> to vector<4x1x16x128xf32>
    %squeeze3A_921 = vector.shape_cast %slice3A_920 : vector<4x1x16x128xf32> to vector<4x16x128xf32>
    %slice3A_922 = vector.extract_strided_slice %reshape3A_917 {offsets = [0, 1, 0, 0], sizes = [4, 1, 16, 128], strides = [1, 1, 1, 1]} : vector<4x2x16x128xf32> to vector<4x1x16x128xf32>
    %squeeze3A_923 = vector.shape_cast %slice3A_922 : vector<4x1x16x128xf32> to vector<4x16x128xf32>
    %sub3A_924 = arith.subf %squeeze3A_921, %squeeze3A_923 : vector<4x16x128xf32>
    %mul3A_925 = vector.broadcast %logistic3A_916 : vector<4x16x1xf32> to vector<4x16x128xf32>
    %mul3A_926 = arith.mulf %mul3A_925, %sub3A_924 : vector<4x16x128xf32>
    %add3A_927 = arith.addf %squeeze3A_919, %mul3A_926 : vector<4x16x128xf32>
    %get3A_928 = arith.constant 0 : index
    %get3A_929 = arith.constant 0 : index
    %get3A_930 = vector.load %arg4[%get3A_928, %get3A_929] : memref<128x384xf32, #tpu.memory_space<vmem>>, vector<128x384xf32>
    %dot_general3A_931 = arith.constant dense<0.000000e+00> : vector<128x384xf32>
    %dot_general3A_932 = tpu.matmul %mul3A_880, %get3A_930, %dot_general3A_931 {dimension_numbers = #tpu.dot_dimension_numbers<[1], [0], [0], [1], [0, 0, 1, 1], [], []>, transpose_lhs_hint = false} : vector<128x128xf32>, vector<128x384xf32>, vector<128x384xf32> -> vector<128x384xf32>
    %slice3A_933 = vector.extract_strided_slice %dot_general3A_932 {offsets = [0, 0], sizes = [128, 128], strides = [1, 1]} : vector<128x384xf32> to vector<128x128xf32>
    %reshape3A_934 = vector.shape_cast %slice3A_933 : vector<128x128xf32> to vector<8x16x128xf32>
    %slice3A_935 = vector.extract_strided_slice %dot_general3A_932 {offsets = [0, 128], sizes = [128, 128], strides = [1, 1]} : vector<128x384xf32> to vector<128x128xf32>
    %reshape3A_936 = vector.shape_cast %slice3A_935 : vector<128x128xf32> to vector<8x16x128xf32>
    %slice3A_937 = vector.extract_strided_slice %dot_general3A_932 {offsets = [0, 256], sizes = [128, 128], strides = [1, 1]} : vector<128x384xf32> to vector<128x128xf32>
    %reshape3A_938 = vector.shape_cast %slice3A_937 : vector<128x128xf32> to vector<8x16x128xf32>
    %eq3A_939 = arith.constant 1 : i32
    %eq3A_940 = vector.broadcast %eq3A_939 : i32 to vector<8x1x128xi32>
    %eq3A_941 = arith.cmpi eq, %get3A_886, %eq3A_940 : vector<8x1x128xi32>
    %broadcast_in_dim3A_942 = vector.shape_cast %eq3A_941 : vector<8x1x128xi1> to vector<8x1x128xi1>
    %broadcast_in_dim3A_943 = vector.broadcast %broadcast_in_dim3A_942 : vector<8x1x128xi1> to vector<8x16x128xi1>
    %select_n3A_944 = arith.select %broadcast_in_dim3A_943, %reshape3A_936, %reshape3A_938 : vector<8x16x128xi1>, vector<8x16x128xf32>
    %eq3A_945 = arith.constant 0 : i32
    %eq3A_946 = vector.broadcast %eq3A_945 : i32 to vector<8x1x128xi32>
    %eq3A_947 = arith.cmpi eq, %get3A_886, %eq3A_946 : vector<8x1x128xi32>
    %broadcast_in_dim3A_948 = vector.shape_cast %eq3A_947 : vector<8x1x128xi1> to vector<8x1x128xi1>
    %broadcast_in_dim3A_949 = vector.broadcast %broadcast_in_dim3A_948 : vector<8x1x128xi1> to vector<8x16x128xi1>
    %select_n3A_950 = arith.select %broadcast_in_dim3A_949, %reshape3A_934, %select_n3A_944 : vector<8x16x128xi1>, vector<8x16x128xf32>
    %add3A_951 = vector.broadcast %slice3A_892 : vector<8x1x128xf32> to vector<8x16x128xf32>
    %add3A_952 = arith.addf %select_n3A_950, %add3A_951 : vector<8x16x128xf32>
    %mul3A_953 = arith.mulf %add3A_952, %reshape3A_882 : vector<8x16x128xf32>
    %reshape3A_954 = vector.shape_cast %mul3A_953 : vector<8x16x128xf32> to vector<4x2x16x128xf32>
    %slice3A_955 = vector.extract_strided_slice %reshape3A_954 {offsets = [0, 0, 0, 0], sizes = [4, 1, 16, 128], strides = [1, 1, 1, 1]} : vector<4x2x16x128xf32> to vector<4x1x16x128xf32>
    %squeeze3A_956 = vector.shape_cast %slice3A_955 : vector<4x1x16x128xf32> to vector<4x16x128xf32>
    %slice3A_957 = vector.extract_strided_slice %reshape3A_954 {offsets = [0, 1, 0, 0], sizes = [4, 1, 16, 128], strides = [1, 1, 1, 1]} : vector<4x2x16x128xf32> to vector<4x1x16x128xf32>
    %squeeze3A_958 = vector.shape_cast %slice3A_957 : vector<4x1x16x128xf32> to vector<4x16x128xf32>
    %add3A_959 = arith.addf %squeeze3A_956, %squeeze3A_958 : vector<4x16x128xf32>
    %reshape3A_960 = vector.shape_cast %add3A_959 : vector<4x16x128xf32> to vector<64x128xf32>
    %get3A_961 = arith.constant 3 : index
    %get3A_962 = arith.constant 0 : index
    %get3A_963 = arith.constant 0 : index
    %get3A_964 = vector.load %arg0[%get3A_961, %get3A_962, %get3A_963] : memref<2047x16x128xf32, #tpu.memory_space<vmem>>, vector<4x16x128xf32>
    %reshape3A_965 = vector.shape_cast %get3A_964 : vector<4x16x128xf32> to vector<64x128xf32>
    %reshape3A_966 = vector.shape_cast %add3A_927 : vector<4x16x128xf32> to vector<64x128xf32>
    %get3A_967 = arith.constant 0 : index
    %get3A_968 = arith.constant 0 : index
    %get3A_969 = vector.load %arg5[%get3A_967, %get3A_968] : memref<128x384xf32, #tpu.memory_space<vmem>>, vector<128x384xf32>
    %dot_general3A_970 = arith.constant dense<0.000000e+00> : vector<64x384xf32>
    %dot_general3A_971 = tpu.matmul %reshape3A_965, %get3A_969, %dot_general3A_970 {dimension_numbers = #tpu.dot_dimension_numbers<[1], [0], [0], [1], [0, 0, 1, 1], [], []>, transpose_lhs_hint = false} : vector<64x128xf32>, vector<128x384xf32>, vector<64x384xf32> -> vector<64x384xf32>
    %get3A_972 = arith.constant 0 : index
    %get3A_973 = arith.constant 0 : index
    %get3A_974 = vector.load %arg6[%get3A_972, %get3A_973] : memref<128x384xf32, #tpu.memory_space<vmem>>, vector<128x384xf32>
    %dot_general3A_975 = arith.constant dense<0.000000e+00> : vector<64x384xf32>
    %dot_general3A_976 = tpu.matmul %reshape3A_966, %get3A_974, %dot_general3A_975 {dimension_numbers = #tpu.dot_dimension_numbers<[1], [0], [0], [1], [0, 0, 1, 1], [], []>, transpose_lhs_hint = false} : vector<64x128xf32>, vector<128x384xf32>, vector<64x384xf32> -> vector<64x384xf32>
    %add3A_977 = arith.addf %dot_general3A_971, %dot_general3A_976 : vector<64x384xf32>
    %get3A_978 = arith.constant 0 : index
    %get3A_979 = arith.constant 0 : index
    %get3A_980 = vector.load %arg7[%get3A_978, %get3A_979] : memref<1x384xf32, #tpu.memory_space<vmem>>, vector<1x384xf32>
    %add3A_981 = vector.broadcast %get3A_980 : vector<1x384xf32> to vector<64x384xf32>
    %add3A_982 = arith.addf %add3A_977, %add3A_981 : vector<64x384xf32>
    %slice3A_983 = vector.extract_strided_slice %add3A_982 {offsets = [0, 0], sizes = [64, 128], strides = [1, 1]} : vector<64x384xf32> to vector<64x128xf32>
    %logistic3A_984 = arith.negf %slice3A_983 : vector<64x128xf32>
    %logistic3A_985 = math.exp %logistic3A_984 : vector<64x128xf32>
    %logistic3A_986 = arith.constant 1.000000e+00 : f32
    %logistic3A_987 = vector.broadcast %logistic3A_986 : f32 to vector<64x128xf32>
    %logistic3A_988 = arith.addf %logistic3A_987, %logistic3A_985 : vector<64x128xf32>
    %logistic3A_989 = arith.divf %logistic3A_987, %logistic3A_988 : vector<64x128xf32>
    %slice3A_990 = vector.extract_strided_slice %add3A_982 {offsets = [0, 128], sizes = [64, 128], strides = [1, 1]} : vector<64x384xf32> to vector<64x128xf32>
    %logistic3A_991 = arith.negf %slice3A_990 : vector<64x128xf32>
    %logistic3A_992 = math.exp %logistic3A_991 : vector<64x128xf32>
    %logistic3A_993 = arith.constant 1.000000e+00 : f32
    %logistic3A_994 = vector.broadcast %logistic3A_993 : f32 to vector<64x128xf32>
    %logistic3A_995 = arith.addf %logistic3A_994, %logistic3A_992 : vector<64x128xf32>
    %logistic3A_996 = arith.divf %logistic3A_994, %logistic3A_995 : vector<64x128xf32>
    %slice3A_997 = vector.extract_strided_slice %add3A_982 {offsets = [0, 256], sizes = [64, 128], strides = [1, 1]} : vector<64x384xf32> to vector<64x128xf32>
    %tanh3A_998 = math.tanh %slice3A_997 : vector<64x128xf32>
    %mul3A_999 = arith.mulf %logistic3A_989, %tanh3A_998 : vector<64x128xf32>
    %add3A_1000 = arith.addf %mul3A_999, %reshape3A_960 : vector<64x128xf32>
    %tanh3A_1001 = math.tanh %add3A_1000 : vector<64x128xf32>
    %mul3A_1002 = arith.mulf %logistic3A_996, %tanh3A_1001 : vector<64x128xf32>
    %reshape3A_1003 = vector.shape_cast %mul3A_1002 : vector<64x128xf32> to vector<4x16x128xf32>
    %reshape3A_1004 = vector.shape_cast %add3A_1000 : vector<64x128xf32> to vector<4x16x128xf32>
    %get3A_1005 = arith.constant 3 : index
    %get3A_1006 = arith.constant 0 : index
    %get3A_1007 = arith.constant 0 : index
    %get3A_1008 = vector.load %arg1[%get3A_1005, %get3A_1006, %get3A_1007] : memref<2047x1x128xi32, #tpu.memory_space<vmem>>, vector<4x1x128xi32>
    %get3A_1009 = arith.constant 3 : index
    %get3A_1010 = arith.constant 0 : index
    %get3A_1011 = arith.constant 0 : index
    %get3A_1012 = vector.load %arg2[%get3A_1009, %get3A_1010, %get3A_1011] : memref<2048x1x256xf32, #tpu.memory_space<vmem>>, vector<4x1x256xf32>
    %slice3A_1013 = vector.extract_strided_slice %get3A_1012 {offsets = [0, 0, 0], sizes = [4, 1, 128], strides = [1, 1, 1]} : vector<4x1x256xf32> to vector<4x1x128xf32>
    %slice3A_1014 = vector.extract_strided_slice %get3A_1012 {offsets = [0, 0, 128], sizes = [4, 1, 128], strides = [1, 1, 1]} : vector<4x1x256xf32> to vector<4x1x128xf32>
    %mul3A_1015 = vector.broadcast %reshape3A_32 : vector<1x1x128xf32> to vector<4x16x128xf32>
    %mul3A_1016 = arith.mulf %reshape3A_1003, %mul3A_1015 : vector<4x16x128xf32>
    %reduce_sum3A_1017 = arith.constant dense<0.000000e+00> : vector<4x16xf32>
    %reduce_sum3A_1018 = vector.multi_reduction <add>, %mul3A_1016, %reduce_sum3A_1017 [2] : vector<4x16x128xf32> to vector<4x16xf32>
    %broadcast_in_dim3A_1019 = vector.shape_cast %reduce_sum3A_1018 : vector<4x16xf32> to vector<4x16x1xf32>
    %mul3A_1020 = vector.broadcast %reshape3A_32 : vector<1x1x128xf32> to vector<4x1x128xf32>
    %mul3A_1021 = arith.mulf %slice3A_1013, %mul3A_1020 : vector<4x1x128xf32>
    %reduce_sum3A_1022 = arith.constant dense<0.000000e+00> : vector<4x1xf32>
    %reduce_sum3A_1023 = vector.multi_reduction <add>, %mul3A_1021, %reduce_sum3A_1022 [2] : vector<4x1x128xf32> to vector<4x1xf32>
    %broadcast_in_dim3A_1024 = vector.shape_cast %reduce_sum3A_1023 : vector<4x1xf32> to vector<4x1x1xf32>
    %add3A_1025 = vector.broadcast %broadcast_in_dim3A_1024 : vector<4x1x1xf32> to vector<4x16x1xf32>
    %add3A_1026 = arith.addf %broadcast_in_dim3A_1019, %add3A_1025 : vector<4x16x1xf32>
    %reshape3A_1027 = vector.shape_cast %add3A_1026 : vector<4x16x1xf32> to vector<2x2x16x1xf32>
    %slice3A_1028 = vector.extract_strided_slice %reshape3A_1027 {offsets = [0, 0, 0, 0], sizes = [2, 1, 16, 1], strides = [1, 1, 1, 1]} : vector<2x2x16x1xf32> to vector<2x1x16x1xf32>
    %squeeze3A_1029 = vector.shape_cast %slice3A_1028 : vector<2x1x16x1xf32> to vector<2x16x1xf32>
    %slice3A_1030 = vector.extract_strided_slice %reshape3A_1027 {offsets = [0, 1, 0, 0], sizes = [2, 1, 16, 1], strides = [1, 1, 1, 1]} : vector<2x2x16x1xf32> to vector<2x1x16x1xf32>
    %squeeze3A_1031 = vector.shape_cast %slice3A_1030 : vector<2x1x16x1xf32> to vector<2x16x1xf32>
    %sub3A_1032 = arith.subf %squeeze3A_1029, %squeeze3A_1031 : vector<2x16x1xf32>
    %logistic3A_1033 = arith.negf %sub3A_1032 : vector<2x16x1xf32>
    %logistic3A_1034 = math.exp %logistic3A_1033 : vector<2x16x1xf32>
    %logistic3A_1035 = arith.constant 1.000000e+00 : f32
    %logistic3A_1036 = vector.broadcast %logistic3A_1035 : f32 to vector<2x16x1xf32>
    %logistic3A_1037 = arith.addf %logistic3A_1036, %logistic3A_1034 : vector<2x16x1xf32>
    %logistic3A_1038 = arith.divf %logistic3A_1036, %logistic3A_1037 : vector<2x16x1xf32>
    %reshape3A_1039 = vector.shape_cast %reshape3A_1003 : vector<4x16x128xf32> to vector<2x2x16x128xf32>
    %slice3A_1040 = vector.extract_strided_slice %reshape3A_1039 {offsets = [0, 1, 0, 0], sizes = [2, 1, 16, 128], strides = [1, 1, 1, 1]} : vector<2x2x16x128xf32> to vector<2x1x16x128xf32>
    %squeeze3A_1041 = vector.shape_cast %slice3A_1040 : vector<2x1x16x128xf32> to vector<2x16x128xf32>
    %slice3A_1042 = vector.extract_strided_slice %reshape3A_1039 {offsets = [0, 0, 0, 0], sizes = [2, 1, 16, 128], strides = [1, 1, 1, 1]} : vector<2x2x16x128xf32> to vector<2x1x16x128xf32>
    %squeeze3A_1043 = vector.shape_cast %slice3A_1042 : vector<2x1x16x128xf32> to vector<2x16x128xf32>
    %slice3A_1044 = vector.extract_strided_slice %reshape3A_1039 {offsets = [0, 1, 0, 0], sizes = [2, 1, 16, 128], strides = [1, 1, 1, 1]} : vector<2x2x16x128xf32> to vector<2x1x16x128xf32>
    %squeeze3A_1045 = vector.shape_cast %slice3A_1044 : vector<2x1x16x128xf32> to vector<2x16x128xf32>
    %sub3A_1046 = arith.subf %squeeze3A_1043, %squeeze3A_1045 : vector<2x16x128xf32>
    %mul3A_1047 = vector.broadcast %logistic3A_1038 : vector<2x16x1xf32> to vector<2x16x128xf32>
    %mul3A_1048 = arith.mulf %mul3A_1047, %sub3A_1046 : vector<2x16x128xf32>
    %add3A_1049 = arith.addf %squeeze3A_1041, %mul3A_1048 : vector<2x16x128xf32>
    %get3A_1050 = arith.constant 0 : index
    %get3A_1051 = arith.constant 0 : index
    %get3A_1052 = vector.load %arg4[%get3A_1050, %get3A_1051] : memref<128x384xf32, #tpu.memory_space<vmem>>, vector<128x384xf32>
    %dot_general3A_1053 = arith.constant dense<0.000000e+00> : vector<64x384xf32>
    %dot_general3A_1054 = tpu.matmul %mul3A_1002, %get3A_1052, %dot_general3A_1053 {dimension_numbers = #tpu.dot_dimension_numbers<[1], [0], [0], [1], [0, 0, 1, 1], [], []>, transpose_lhs_hint = false} : vector<64x128xf32>, vector<128x384xf32>, vector<64x384xf32> -> vector<64x384xf32>
    %slice3A_1055 = vector.extract_strided_slice %dot_general3A_1054 {offsets = [0, 0], sizes = [64, 128], strides = [1, 1]} : vector<64x384xf32> to vector<64x128xf32>
    %reshape3A_1056 = vector.shape_cast %slice3A_1055 : vector<64x128xf32> to vector<4x16x128xf32>
    %slice3A_1057 = vector.extract_strided_slice %dot_general3A_1054 {offsets = [0, 128], sizes = [64, 128], strides = [1, 1]} : vector<64x384xf32> to vector<64x128xf32>
    %reshape3A_1058 = vector.shape_cast %slice3A_1057 : vector<64x128xf32> to vector<4x16x128xf32>
    %slice3A_1059 = vector.extract_strided_slice %dot_general3A_1054 {offsets = [0, 256], sizes = [64, 128], strides = [1, 1]} : vector<64x384xf32> to vector<64x128xf32>
    %reshape3A_1060 = vector.shape_cast %slice3A_1059 : vector<64x128xf32> to vector<4x16x128xf32>
    %eq3A_1061 = arith.constant 1 : i32
    %eq3A_1062 = vector.broadcast %eq3A_1061 : i32 to vector<4x1x128xi32>
    %eq3A_1063 = arith.cmpi eq, %get3A_1008, %eq3A_1062 : vector<4x1x128xi32>
    %broadcast_in_dim3A_1064 = vector.shape_cast %eq3A_1063 : vector<4x1x128xi1> to vector<4x1x128xi1>
    %broadcast_in_dim3A_1065 = vector.broadcast %broadcast_in_dim3A_1064 : vector<4x1x128xi1> to vector<4x16x128xi1>
    %select_n3A_1066 = arith.select %broadcast_in_dim3A_1065, %reshape3A_1058, %reshape3A_1060 : vector<4x16x128xi1>, vector<4x16x128xf32>
    %eq3A_1067 = arith.constant 0 : i32
    %eq3A_1068 = vector.broadcast %eq3A_1067 : i32 to vector<4x1x128xi32>
    %eq3A_1069 = arith.cmpi eq, %get3A_1008, %eq3A_1068 : vector<4x1x128xi32>
    %broadcast_in_dim3A_1070 = vector.shape_cast %eq3A_1069 : vector<4x1x128xi1> to vector<4x1x128xi1>
    %broadcast_in_dim3A_1071 = vector.broadcast %broadcast_in_dim3A_1070 : vector<4x1x128xi1> to vector<4x16x128xi1>
    %select_n3A_1072 = arith.select %broadcast_in_dim3A_1071, %reshape3A_1056, %select_n3A_1066 : vector<4x16x128xi1>, vector<4x16x128xf32>
    %add3A_1073 = vector.broadcast %slice3A_1014 : vector<4x1x128xf32> to vector<4x16x128xf32>
    %add3A_1074 = arith.addf %select_n3A_1072, %add3A_1073 : vector<4x16x128xf32>
    %mul3A_1075 = arith.mulf %add3A_1074, %reshape3A_1004 : vector<4x16x128xf32>
    %reshape3A_1076 = vector.shape_cast %mul3A_1075 : vector<4x16x128xf32> to vector<2x2x16x128xf32>
    %slice3A_1077 = vector.extract_strided_slice %reshape3A_1076 {offsets = [0, 0, 0, 0], sizes = [2, 1, 16, 128], strides = [1, 1, 1, 1]} : vector<2x2x16x128xf32> to vector<2x1x16x128xf32>
    %squeeze3A_1078 = vector.shape_cast %slice3A_1077 : vector<2x1x16x128xf32> to vector<2x16x128xf32>
    %slice3A_1079 = vector.extract_strided_slice %reshape3A_1076 {offsets = [0, 1, 0, 0], sizes = [2, 1, 16, 128], strides = [1, 1, 1, 1]} : vector<2x2x16x128xf32> to vector<2x1x16x128xf32>
    %squeeze3A_1080 = vector.shape_cast %slice3A_1079 : vector<2x1x16x128xf32> to vector<2x16x128xf32>
    %add3A_1081 = arith.addf %squeeze3A_1078, %squeeze3A_1080 : vector<2x16x128xf32>
    %reshape3A_1082 = vector.shape_cast %add3A_1081 : vector<2x16x128xf32> to vector<32x128xf32>
    %get3A_1083 = arith.constant 1 : index
    %get3A_1084 = arith.constant 0 : index
    %get3A_1085 = arith.constant 0 : index
    %get3A_1086 = vector.load %arg0[%get3A_1083, %get3A_1084, %get3A_1085] : memref<2047x16x128xf32, #tpu.memory_space<vmem>>, vector<2x16x128xf32>
    %reshape3A_1087 = vector.shape_cast %get3A_1086 : vector<2x16x128xf32> to vector<32x128xf32>
    %reshape3A_1088 = vector.shape_cast %add3A_1049 : vector<2x16x128xf32> to vector<32x128xf32>
    %get3A_1089 = arith.constant 0 : index
    %get3A_1090 = arith.constant 0 : index
    %get3A_1091 = vector.load %arg5[%get3A_1089, %get3A_1090] : memref<128x384xf32, #tpu.memory_space<vmem>>, vector<128x384xf32>
    %dot_general3A_1092 = arith.constant dense<0.000000e+00> : vector<32x384xf32>
    %dot_general3A_1093 = tpu.matmul %reshape3A_1087, %get3A_1091, %dot_general3A_1092 {dimension_numbers = #tpu.dot_dimension_numbers<[1], [0], [0], [1], [0, 0, 1, 1], [], []>, transpose_lhs_hint = false} : vector<32x128xf32>, vector<128x384xf32>, vector<32x384xf32> -> vector<32x384xf32>
    %get3A_1094 = arith.constant 0 : index
    %get3A_1095 = arith.constant 0 : index
    %get3A_1096 = vector.load %arg6[%get3A_1094, %get3A_1095] : memref<128x384xf32, #tpu.memory_space<vmem>>, vector<128x384xf32>
    %dot_general3A_1097 = arith.constant dense<0.000000e+00> : vector<32x384xf32>
    %dot_general3A_1098 = tpu.matmul %reshape3A_1088, %get3A_1096, %dot_general3A_1097 {dimension_numbers = #tpu.dot_dimension_numbers<[1], [0], [0], [1], [0, 0, 1, 1], [], []>, transpose_lhs_hint = false} : vector<32x128xf32>, vector<128x384xf32>, vector<32x384xf32> -> vector<32x384xf32>
    %add3A_1099 = arith.addf %dot_general3A_1093, %dot_general3A_1098 : vector<32x384xf32>
    %get3A_1100 = arith.constant 0 : index
    %get3A_1101 = arith.constant 0 : index
    %get3A_1102 = vector.load %arg7[%get3A_1100, %get3A_1101] : memref<1x384xf32, #tpu.memory_space<vmem>>, vector<1x384xf32>
    %add3A_1103 = vector.broadcast %get3A_1102 : vector<1x384xf32> to vector<32x384xf32>
    %add3A_1104 = arith.addf %add3A_1099, %add3A_1103 : vector<32x384xf32>
    %slice3A_1105 = vector.extract_strided_slice %add3A_1104 {offsets = [0, 0], sizes = [32, 128], strides = [1, 1]} : vector<32x384xf32> to vector<32x128xf32>
    %logistic3A_1106 = arith.negf %slice3A_1105 : vector<32x128xf32>
    %logistic3A_1107 = math.exp %logistic3A_1106 : vector<32x128xf32>
    %logistic3A_1108 = arith.constant 1.000000e+00 : f32
    %logistic3A_1109 = vector.broadcast %logistic3A_1108 : f32 to vector<32x128xf32>
    %logistic3A_1110 = arith.addf %logistic3A_1109, %logistic3A_1107 : vector<32x128xf32>
    %logistic3A_1111 = arith.divf %logistic3A_1109, %logistic3A_1110 : vector<32x128xf32>
    %slice3A_1112 = vector.extract_strided_slice %add3A_1104 {offsets = [0, 128], sizes = [32, 128], strides = [1, 1]} : vector<32x384xf32> to vector<32x128xf32>
    %logistic3A_1113 = arith.negf %slice3A_1112 : vector<32x128xf32>
    %logistic3A_1114 = math.exp %logistic3A_1113 : vector<32x128xf32>
    %logistic3A_1115 = arith.constant 1.000000e+00 : f32
    %logistic3A_1116 = vector.broadcast %logistic3A_1115 : f32 to vector<32x128xf32>
    %logistic3A_1117 = arith.addf %logistic3A_1116, %logistic3A_1114 : vector<32x128xf32>
    %logistic3A_1118 = arith.divf %logistic3A_1116, %logistic3A_1117 : vector<32x128xf32>
    %slice3A_1119 = vector.extract_strided_slice %add3A_1104 {offsets = [0, 256], sizes = [32, 128], strides = [1, 1]} : vector<32x384xf32> to vector<32x128xf32>
    %tanh3A_1120 = math.tanh %slice3A_1119 : vector<32x128xf32>
    %mul3A_1121 = arith.mulf %logistic3A_1111, %tanh3A_1120 : vector<32x128xf32>
    %add3A_1122 = arith.addf %mul3A_1121, %reshape3A_1082 : vector<32x128xf32>
    %tanh3A_1123 = math.tanh %add3A_1122 : vector<32x128xf32>
    %mul3A_1124 = arith.mulf %logistic3A_1118, %tanh3A_1123 : vector<32x128xf32>
    %reshape3A_1125 = vector.shape_cast %mul3A_1124 : vector<32x128xf32> to vector<2x16x128xf32>
    %reshape3A_1126 = vector.shape_cast %add3A_1122 : vector<32x128xf32> to vector<2x16x128xf32>
    %get3A_1127 = arith.constant 1 : index
    %get3A_1128 = arith.constant 0 : index
    %get3A_1129 = arith.constant 0 : index
    %get3A_1130 = vector.load %arg1[%get3A_1127, %get3A_1128, %get3A_1129] : memref<2047x1x128xi32, #tpu.memory_space<vmem>>, vector<2x1x128xi32>
    %get3A_1131 = arith.constant 1 : index
    %get3A_1132 = arith.constant 0 : index
    %get3A_1133 = arith.constant 0 : index
    %get3A_1134 = vector.load %arg2[%get3A_1131, %get3A_1132, %get3A_1133] : memref<2048x1x256xf32, #tpu.memory_space<vmem>>, vector<2x1x256xf32>
    %slice3A_1135 = vector.extract_strided_slice %get3A_1134 {offsets = [0, 0, 0], sizes = [2, 1, 128], strides = [1, 1, 1]} : vector<2x1x256xf32> to vector<2x1x128xf32>
    %slice3A_1136 = vector.extract_strided_slice %get3A_1134 {offsets = [0, 0, 128], sizes = [2, 1, 128], strides = [1, 1, 1]} : vector<2x1x256xf32> to vector<2x1x128xf32>
    %mul3A_1137 = vector.broadcast %reshape3A_32 : vector<1x1x128xf32> to vector<2x16x128xf32>
    %mul3A_1138 = arith.mulf %reshape3A_1125, %mul3A_1137 : vector<2x16x128xf32>
    %reduce_sum3A_1139 = arith.constant dense<0.000000e+00> : vector<2x16xf32>
    %reduce_sum3A_1140 = vector.multi_reduction <add>, %mul3A_1138, %reduce_sum3A_1139 [2] : vector<2x16x128xf32> to vector<2x16xf32>
    %broadcast_in_dim3A_1141 = vector.shape_cast %reduce_sum3A_1140 : vector<2x16xf32> to vector<2x16x1xf32>
    %mul3A_1142 = vector.broadcast %reshape3A_32 : vector<1x1x128xf32> to vector<2x1x128xf32>
    %mul3A_1143 = arith.mulf %slice3A_1135, %mul3A_1142 : vector<2x1x128xf32>
    %reduce_sum3A_1144 = arith.constant dense<0.000000e+00> : vector<2x1xf32>
    %reduce_sum3A_1145 = vector.multi_reduction <add>, %mul3A_1143, %reduce_sum3A_1144 [2] : vector<2x1x128xf32> to vector<2x1xf32>
    %broadcast_in_dim3A_1146 = vector.shape_cast %reduce_sum3A_1145 : vector<2x1xf32> to vector<2x1x1xf32>
    %add3A_1147 = vector.broadcast %broadcast_in_dim3A_1146 : vector<2x1x1xf32> to vector<2x16x1xf32>
    %add3A_1148 = arith.addf %broadcast_in_dim3A_1141, %add3A_1147 : vector<2x16x1xf32>
    %reshape3A_1149 = vector.shape_cast %add3A_1148 : vector<2x16x1xf32> to vector<1x2x16x1xf32>
    %slice3A_1150 = vector.extract_strided_slice %reshape3A_1149 {offsets = [0, 0, 0, 0], sizes = [1, 1, 16, 1], strides = [1, 1, 1, 1]} : vector<1x2x16x1xf32> to vector<1x1x16x1xf32>
    %squeeze3A_1151 = vector.shape_cast %slice3A_1150 : vector<1x1x16x1xf32> to vector<1x16x1xf32>
    %slice3A_1152 = vector.extract_strided_slice %reshape3A_1149 {offsets = [0, 1, 0, 0], sizes = [1, 1, 16, 1], strides = [1, 1, 1, 1]} : vector<1x2x16x1xf32> to vector<1x1x16x1xf32>
    %squeeze3A_1153 = vector.shape_cast %slice3A_1152 : vector<1x1x16x1xf32> to vector<1x16x1xf32>
    %sub3A_1154 = arith.subf %squeeze3A_1151, %squeeze3A_1153 : vector<1x16x1xf32>
    %logistic3A_1155 = arith.negf %sub3A_1154 : vector<1x16x1xf32>
    %logistic3A_1156 = math.exp %logistic3A_1155 : vector<1x16x1xf32>
    %logistic3A_1157 = arith.constant 1.000000e+00 : f32
    %logistic3A_1158 = vector.broadcast %logistic3A_1157 : f32 to vector<1x16x1xf32>
    %logistic3A_1159 = arith.addf %logistic3A_1158, %logistic3A_1156 : vector<1x16x1xf32>
    %logistic3A_1160 = arith.divf %logistic3A_1158, %logistic3A_1159 : vector<1x16x1xf32>
    %reshape3A_1161 = vector.shape_cast %reshape3A_1125 : vector<2x16x128xf32> to vector<1x2x16x128xf32>
    %slice3A_1162 = vector.extract_strided_slice %reshape3A_1161 {offsets = [0, 1, 0, 0], sizes = [1, 1, 16, 128], strides = [1, 1, 1, 1]} : vector<1x2x16x128xf32> to vector<1x1x16x128xf32>
    %squeeze3A_1163 = vector.shape_cast %slice3A_1162 : vector<1x1x16x128xf32> to vector<1x16x128xf32>
    %slice3A_1164 = vector.extract_strided_slice %reshape3A_1161 {offsets = [0, 0, 0, 0], sizes = [1, 1, 16, 128], strides = [1, 1, 1, 1]} : vector<1x2x16x128xf32> to vector<1x1x16x128xf32>
    %squeeze3A_1165 = vector.shape_cast %slice3A_1164 : vector<1x1x16x128xf32> to vector<1x16x128xf32>
    %slice3A_1166 = vector.extract_strided_slice %reshape3A_1161 {offsets = [0, 1, 0, 0], sizes = [1, 1, 16, 128], strides = [1, 1, 1, 1]} : vector<1x2x16x128xf32> to vector<1x1x16x128xf32>
    %squeeze3A_1167 = vector.shape_cast %slice3A_1166 : vector<1x1x16x128xf32> to vector<1x16x128xf32>
    %sub3A_1168 = arith.subf %squeeze3A_1165, %squeeze3A_1167 : vector<1x16x128xf32>
    %mul3A_1169 = vector.broadcast %logistic3A_1160 : vector<1x16x1xf32> to vector<1x16x128xf32>
    %mul3A_1170 = arith.mulf %mul3A_1169, %sub3A_1168 : vector<1x16x128xf32>
    %add3A_1171 = arith.addf %squeeze3A_1163, %mul3A_1170 : vector<1x16x128xf32>
    %get3A_1172 = arith.constant 0 : index
    %get3A_1173 = arith.constant 0 : index
    %get3A_1174 = vector.load %arg4[%get3A_1172, %get3A_1173] : memref<128x384xf32, #tpu.memory_space<vmem>>, vector<128x384xf32>
    %dot_general3A_1175 = arith.constant dense<0.000000e+00> : vector<32x384xf32>
    %dot_general3A_1176 = tpu.matmul %mul3A_1124, %get3A_1174, %dot_general3A_1175 {dimension_numbers = #tpu.dot_dimension_numbers<[1], [0], [0], [1], [0, 0, 1, 1], [], []>, transpose_lhs_hint = false} : vector<32x128xf32>, vector<128x384xf32>, vector<32x384xf32> -> vector<32x384xf32>
    %slice3A_1177 = vector.extract_strided_slice %dot_general3A_1176 {offsets = [0, 0], sizes = [32, 128], strides = [1, 1]} : vector<32x384xf32> to vector<32x128xf32>
    %reshape3A_1178 = vector.shape_cast %slice3A_1177 : vector<32x128xf32> to vector<2x16x128xf32>
    %slice3A_1179 = vector.extract_strided_slice %dot_general3A_1176 {offsets = [0, 128], sizes = [32, 128], strides = [1, 1]} : vector<32x384xf32> to vector<32x128xf32>
    %reshape3A_1180 = vector.shape_cast %slice3A_1179 : vector<32x128xf32> to vector<2x16x128xf32>
    %slice3A_1181 = vector.extract_strided_slice %dot_general3A_1176 {offsets = [0, 256], sizes = [32, 128], strides = [1, 1]} : vector<32x384xf32> to vector<32x128xf32>
    %reshape3A_1182 = vector.shape_cast %slice3A_1181 : vector<32x128xf32> to vector<2x16x128xf32>
    %eq3A_1183 = arith.constant 1 : i32
    %eq3A_1184 = vector.broadcast %eq3A_1183 : i32 to vector<2x1x128xi32>
    %eq3A_1185 = arith.cmpi eq, %get3A_1130, %eq3A_1184 : vector<2x1x128xi32>
    %broadcast_in_dim3A_1186 = vector.shape_cast %eq3A_1185 : vector<2x1x128xi1> to vector<2x1x128xi1>
    %broadcast_in_dim3A_1187 = vector.broadcast %broadcast_in_dim3A_1186 : vector<2x1x128xi1> to vector<2x16x128xi1>
    %select_n3A_1188 = arith.select %broadcast_in_dim3A_1187, %reshape3A_1180, %reshape3A_1182 : vector<2x16x128xi1>, vector<2x16x128xf32>
    %eq3A_1189 = arith.constant 0 : i32
    %eq3A_1190 = vector.broadcast %eq3A_1189 : i32 to vector<2x1x128xi32>
    %eq3A_1191 = arith.cmpi eq, %get3A_1130, %eq3A_1190 : vector<2x1x128xi32>
    %broadcast_in_dim3A_1192 = vector.shape_cast %eq3A_1191 : vector<2x1x128xi1> to vector<2x1x128xi1>
    %broadcast_in_dim3A_1193 = vector.broadcast %broadcast_in_dim3A_1192 : vector<2x1x128xi1> to vector<2x16x128xi1>
    %select_n3A_1194 = arith.select %broadcast_in_dim3A_1193, %reshape3A_1178, %select_n3A_1188 : vector<2x16x128xi1>, vector<2x16x128xf32>
    %add3A_1195 = vector.broadcast %slice3A_1136 : vector<2x1x128xf32> to vector<2x16x128xf32>
    %add3A_1196 = arith.addf %select_n3A_1194, %add3A_1195 : vector<2x16x128xf32>
    %mul3A_1197 = arith.mulf %add3A_1196, %reshape3A_1126 : vector<2x16x128xf32>
    %reshape3A_1198 = vector.shape_cast %mul3A_1197 : vector<2x16x128xf32> to vector<1x2x16x128xf32>
    %slice3A_1199 = vector.extract_strided_slice %reshape3A_1198 {offsets = [0, 0, 0, 0], sizes = [1, 1, 16, 128], strides = [1, 1, 1, 1]} : vector<1x2x16x128xf32> to vector<1x1x16x128xf32>
    %squeeze3A_1200 = vector.shape_cast %slice3A_1199 : vector<1x1x16x128xf32> to vector<1x16x128xf32>
    %slice3A_1201 = vector.extract_strided_slice %reshape3A_1198 {offsets = [0, 1, 0, 0], sizes = [1, 1, 16, 128], strides = [1, 1, 1, 1]} : vector<1x2x16x128xf32> to vector<1x1x16x128xf32>
    %squeeze3A_1202 = vector.shape_cast %slice3A_1201 : vector<1x1x16x128xf32> to vector<1x16x128xf32>
    %add3A_1203 = arith.addf %squeeze3A_1200, %squeeze3A_1202 : vector<1x16x128xf32>
    %reshape3A_1204 = vector.shape_cast %add3A_1203 : vector<1x16x128xf32> to vector<16x128xf32>
    %get3A_1205 = arith.constant 0 : index
    %get3A_1206 = arith.constant 0 : index
    %get3A_1207 = arith.constant 0 : index
    %get3A_1208 = vector.load %arg0[%get3A_1205, %get3A_1206, %get3A_1207] : memref<2047x16x128xf32, #tpu.memory_space<vmem>>, vector<1x16x128xf32>
    %reshape3A_1209 = vector.shape_cast %get3A_1208 : vector<1x16x128xf32> to vector<16x128xf32>
    %reshape3A_1210 = vector.shape_cast %add3A_1171 : vector<1x16x128xf32> to vector<16x128xf32>
    %get3A_1211 = arith.constant 0 : index
    %get3A_1212 = arith.constant 0 : index
    %get3A_1213 = vector.load %arg5[%get3A_1211, %get3A_1212] : memref<128x384xf32, #tpu.memory_space<vmem>>, vector<128x384xf32>
    %dot_general3A_1214 = arith.constant dense<0.000000e+00> : vector<16x384xf32>
    %dot_general3A_1215 = tpu.matmul %reshape3A_1209, %get3A_1213, %dot_general3A_1214 {dimension_numbers = #tpu.dot_dimension_numbers<[1], [0], [0], [1], [0, 0, 1, 1], [], []>, transpose_lhs_hint = false} : vector<16x128xf32>, vector<128x384xf32>, vector<16x384xf32> -> vector<16x384xf32>
    %get3A_1216 = arith.constant 0 : index
    %get3A_1217 = arith.constant 0 : index
    %get3A_1218 = vector.load %arg6[%get3A_1216, %get3A_1217] : memref<128x384xf32, #tpu.memory_space<vmem>>, vector<128x384xf32>
    %dot_general3A_1219 = arith.constant dense<0.000000e+00> : vector<16x384xf32>
    %dot_general3A_1220 = tpu.matmul %reshape3A_1210, %get3A_1218, %dot_general3A_1219 {dimension_numbers = #tpu.dot_dimension_numbers<[1], [0], [0], [1], [0, 0, 1, 1], [], []>, transpose_lhs_hint = false} : vector<16x128xf32>, vector<128x384xf32>, vector<16x384xf32> -> vector<16x384xf32>
    %add3A_1221 = arith.addf %dot_general3A_1215, %dot_general3A_1220 : vector<16x384xf32>
    %get3A_1222 = arith.constant 0 : index
    %get3A_1223 = arith.constant 0 : index
    %get3A_1224 = vector.load %arg7[%get3A_1222, %get3A_1223] : memref<1x384xf32, #tpu.memory_space<vmem>>, vector<1x384xf32>
    %add3A_1225 = vector.broadcast %get3A_1224 : vector<1x384xf32> to vector<16x384xf32>
    %add3A_1226 = arith.addf %add3A_1221, %add3A_1225 : vector<16x384xf32>
    %slice3A_1227 = vector.extract_strided_slice %add3A_1226 {offsets = [0, 0], sizes = [16, 128], strides = [1, 1]} : vector<16x384xf32> to vector<16x128xf32>
    %logistic3A_1228 = arith.negf %slice3A_1227 : vector<16x128xf32>
    %logistic3A_1229 = math.exp %logistic3A_1228 : vector<16x128xf32>
    %logistic3A_1230 = arith.constant 1.000000e+00 : f32
    %logistic3A_1231 = vector.broadcast %logistic3A_1230 : f32 to vector<16x128xf32>
    %logistic3A_1232 = arith.addf %logistic3A_1231, %logistic3A_1229 : vector<16x128xf32>
    %logistic3A_1233 = arith.divf %logistic3A_1231, %logistic3A_1232 : vector<16x128xf32>
    %slice3A_1234 = vector.extract_strided_slice %add3A_1226 {offsets = [0, 128], sizes = [16, 128], strides = [1, 1]} : vector<16x384xf32> to vector<16x128xf32>
    %logistic3A_1235 = arith.negf %slice3A_1234 : vector<16x128xf32>
    %logistic3A_1236 = math.exp %logistic3A_1235 : vector<16x128xf32>
    %logistic3A_1237 = arith.constant 1.000000e+00 : f32
    %logistic3A_1238 = vector.broadcast %logistic3A_1237 : f32 to vector<16x128xf32>
    %logistic3A_1239 = arith.addf %logistic3A_1238, %logistic3A_1236 : vector<16x128xf32>
    %logistic3A_1240 = arith.divf %logistic3A_1238, %logistic3A_1239 : vector<16x128xf32>
    %slice3A_1241 = vector.extract_strided_slice %add3A_1226 {offsets = [0, 256], sizes = [16, 128], strides = [1, 1]} : vector<16x384xf32> to vector<16x128xf32>
    %tanh3A_1242 = math.tanh %slice3A_1241 : vector<16x128xf32>
    %mul3A_1243 = arith.mulf %logistic3A_1233, %tanh3A_1242 : vector<16x128xf32>
    %add3A_1244 = arith.addf %mul3A_1243, %reshape3A_1204 : vector<16x128xf32>
    %tanh3A_1245 = math.tanh %add3A_1244 : vector<16x128xf32>
    %mul3A_1246 = arith.mulf %logistic3A_1240, %tanh3A_1245 : vector<16x128xf32>
    %swap3A = arith.constant 0 : index
    %swap3A_1247 = arith.constant 0 : index
    %swap3A_1248 = vector.load %arg8[%swap3A, %swap3A_1247] : memref<16x128xf32, #tpu.memory_space<vmem>>, vector<16x128xf32>
    tpu.vector_store %arg8[%swap3A, %swap3A_1247], %mul3A_1246 {strides = array<i32>} : memref<16x128xf32, #tpu.memory_space<vmem>>, vector<16x128xf32>,
    return
  }
}

</mosaic_0001>

<sc_bundles>
// kernel: kernel.4.cloned.1.call-start
scs
__scs_entry_jumppad:
0x0: {  	(pc) =	sbr.rel $0x88, $3  }
0x1: {  	(tag) =	ssettag $0x0;
	lr =	simm.s32 $0x1  }
0x2: {  	[smem:$0x3F95] =	sst lr;
	_ =	strace $0xD0000000  }
0x3: {  	_ = 	snop  }
0x4: {  	_ = 	snop  }
0x5: {  	_ = 	snop  }
0x6: {  	_ = 	snop  }
0x7: {  	_ = 	snop  }
__scs_overlays_trampoline_lowered:
0x8: {  	[smem:$0x3FA4] =	sst s0  }
0x9: {  	[smem:$0x3FA5] =	sst s1  }
0xa: {  	[smem:$0x3FA6] =	sst s2  }
0xb: {  	[smem:$0x3FA7] =	sst s3  }
0xc: {  	[smem:$0x3FA8] =	sst s4  }
0xd: {  	[smem:$0x3FA9] =	sst s5  }
0xe: {  	[smem:$0x3FAA] =	sst s6  }
0xf: {  	[smem:$0x3FAB] =	sst s7  }
0x10: {  	[smem:$0x3FAC] =	sst s8  }
0x11: {  	[smem:$0x3FAD] =	sst s9;
	s0 =	simm.s32 @!p0 $0x0  }
0x12: {  	s1 =	sld [smem:$0x3F93];
	s0 =	simm.s32 @p0 $0x1  }
0x13: {  	[smem:$0x3FAE] =	sst s0;
	s0 =	simm.s32 @!p1 $0x0  }
0x14: {  	s2 =	sld [smem:$0x3F92];
	s0 =	simm.s32 @p1 $0x1  }
0x15: {  	[smem:$0x3FAF] =	sst s0;
	s0 =	simm.s32 @!p2 $0x0  }
0x16: {  	s3 =	sld [smem:$0x3FDB];
	s0 =	simm.s32 @p2 $0x1  }
0x17: {  	s4 =	simm.s32 $0x1BF5;
	[smem:$0x3FB1] =	sst s0  }
0x18: {  	s0 =	sld [smem:$0x3F94];
	_ =	swait.ge [sflag:s4], $0x0  }
0x19: {  	s7 =	sld [smem:$0x3F95]  }
0x1a: {  	s8 =	sadd.s32 $0xFFFFE003, lr  }
0x1b: {  	s9 =	sadd.s32 $0xFFFFFEF7, lr;
	s5 =	simm.s32 $0xFFFFFFFF;
	p2 =	slt.u32 s8, $0xFFFFF086  }
0x1c: {  	p1 =	slt.u32 s9, $0xF7A;
	s5 =	simm.s32 @!p2 $0x0  }
0x1d: {  	s5 =	simm.s32 @p1 $0x1;
	p0 =	seq.s32 s7, s2  }
0x1e: {  	s7 =	smul.u32 @!p0 $0xF7A, s2;
	p2 =	seq.s32 @!p0 s5, $0x0  }
0x1f: {  	s9 =	smul.u32 $0xF7A, s1;
	s8 =	simm.s32 @!p0 $0x1BF5;
	p2 =	por !p2, p0  }
0x20: {  	[sflag:s8] =	ssyncset.s32 @!p0 $0xFFFFF086;
	s6 =	sadd.s32 @!p0 s3, s7;
	s7 =	simm.s32 @!p0 $0x108  }
0x21: {  	s3 =	sadd.s32 s3, s9;
	s6 =	sadd.s32 @!p0 $0x88, s6;
	s7 =	simm.s32 @p2 $0x1082  }
0x22: {  	[simem:s7], [sflag:s8] =	dma.local @!p0 [hbm:s6], $0xF7A  }
0x23: {  	s9 =	sor.u32 $0xD0000000, s2;
	s6 =	simm.s32 $0x108;
	_ =	swait.ge @!p0 [sflag:s8], $0x0  }
0x24: {  	s3 =	sadd.s32 $0x88, s3;
	s6 =	simm.s32 @!p1 $0x1082;
	[sflag:s4] =	ssyncset.s32 $0xFFFFF086  }
0x25: {  	[simem:s6], [sflag:s4] =	dma.local [hbm:s3], $0xF7A  }
0x26: {  	[smem:$0x3F95] =	sst s1;
	(tag) =	ssettag s2;
	_ =	strace s9  }
0x27: {  	s1 =	sld [smem:$0x3FA5]  }
0x28: {  	s2 =	sld [smem:$0x3FA6]  }
0x29: {  	s4 =	sld [smem:$0x3FA8]  }
0x2a: {  	p0 =	seq.s32 s5, $0x0;
	s5 =	sld [smem:$0x3FA9]  }
0x2b: {  	s6 =	sld [smem:$0x3FAA]  }
0x2c: {  	s7 =	sld [smem:$0x3FAB]  }
0x2d: {  	s3 =	simm.s32 $0x108;
	s8 =	sld [smem:$0x3FAC]  }
0x2e: {  	s3 =	simm.s32 @!p0 $0x1082;
	s9 =	sld [smem:$0x3FAD]  }
0x2f: {  	lr =	sadd.s32 s0, s3;
	s0 =	sld [smem:$0x3FA4]  }
0x30: {  	s3 =	sld [smem:$0x3FA7]  }
0x31: {  	[smem:$0x3FB0] =	sst s10  }
0x32: {  	s10 =	sld [smem:$0x3FAE];
	_ =	sdelay $0x3  }
0x33: {  	p0 =	seq.s32 s10, $0x1;
	s10 =	sld [smem:$0x3FB0];
	_ =	sdelay $0x3  }
0x34: {  	[smem:$0x3FB0] =	sst s10  }
0x35: {  	s10 =	sld [smem:$0x3FAF];
	_ =	sdelay $0x3  }
0x36: {  	p1 =	seq.s32 s10, $0x1;
	s10 =	sld [smem:$0x3FB0];
	_ =	sdelay $0x3  }
0x37: {  	[smem:$0x3FB0] =	sst s10  }
0x38: {  	s10 =	sld [smem:$0x3FB1]  }
0x39: {  	_ = 	snop;
	(pc) =	sbr.ind lr, $3  }
0x3a: {  	_ = 	snop  }
0x3b: {  	_ = 	snop  }
0x3c: {  	p2 =	seq.s32 s10, $0x1;
	s10 =	sld [smem:$0x3FB0]  }
0x3d: {  	_ =	shalt  }
0x3e: {  	_ =	shalt  }
0x3f: {  	_ =	shalt  }
0x40: {  	_ =	shalt  }
0x41: {  	_ =	shalt  }
0x42: {  	_ =	shalt  }
0x43: {  	_ =	shalt  }
0x44: {  	_ =	shalt  }
0x45: {  	_ =	shalt  }
0x46: {  	_ =	shalt  }
0x47: {  	_ =	shalt  }
0x48: {  	_ =	shalt  }
0x49: {  	_ =	shalt  }
0x4a: {  	_ =	shalt  }
0x4b: {  	_ =	shalt  }
0x4c: {  	_ =	shalt  }
0x4d: {  	_ =	shalt  }
0x4e: {  	_ =	shalt  }
0x4f: {  	_ =	shalt  }
0x50: {  	_ =	shalt  }
0x51: {  	_ =	shalt  }
0x52: {  	_ =	shalt  }
0x53: {  	_ =	shalt  }
0x54: {  	_ =	shalt  }
0x55: {  	_ =	shalt  }
0x56: {  	_ =	shalt  }
0x57: {  	_ =	shalt  }
0x58: {  	_ =	shalt  }
0x59: {  	_ =	shalt  }
0x5a: {  	_ =	shalt  }
0x5b: {  	_ =	shalt  }
0x5c: {  	_ =	shalt  }
0x5d: {  	_ =	shalt  }
0x5e: {  	_ =	shalt  }
0x5f: {  	_ =	shalt  }
0x60: {  	_ =	shalt  }
0x61: {  	_ =	shalt  }
0x62: {  	_ =	shalt  }
0x63: {  	_ =	shalt  }
0x64: {  	_ =	shalt  }
0x65: {  	_ =	shalt  }
0x66: {  	_ =	shalt  }
0x67: {  	_ =	shalt  }
0x68: {  	_ =	shalt  }
0x69: {  	_ =	shalt  }
0x6a: {  	_ =	shalt  }
0x6b: {  	_ =	shalt  }
0x6c: {  	_ =	shalt  }
0x6d: {  	_ =	shalt  }
0x6e: {  	_ =	shalt  }
0x6f: {  	_ =	shalt  }
0x70: {  	_ =	shalt  }
0x71: {  	_ =	shalt  }
0x72: {  	_ =	shalt  }
0x73: {  	_ =	shalt  }
0x74: {  	_ =	shalt  }
0x75: {  	_ =	shalt  }
0x76: {  	_ =	shalt  }
0x77: {  	_ =	shalt  }
0x78: {  	_ =	shalt  }
0x79: {  	_ =	shalt  }
0x7a: {  	_ =	shalt  }
0x7b: {  	_ =	shalt  }
0x7c: {  	_ =	shalt  }
0x7d: {  	_ =	shalt  }
0x7e: {  	_ =	shalt  }
0x7f: {  	_ =	shalt  }
0x80: {  	_ =	shalt  }
0x81: {  	_ =	shalt  }
0x82: {  	_ =	shalt  }
0x83: {  	_ =	shalt  }
0x84: {  	_ =	shalt  }
0x85: {  	_ =	shalt  }
0x86: {  	_ =	shalt  }
0x87: {  	_ =	shalt  }
.Lfunc_end0:
.L_simem_size_0:
called_computation_lowered:
.L_overlay_start_0:
0x88: {  	s2 =	sld [smem:$0x3FD9]  }
0x89: {  	s3 =	sld [smem:$0x3FFE];
	_ =	sdelay $0x1  }
0x8a: {  	s1 =	srdreg.scid  }
0x8b: {  	s0 =	sand.u32 $0x1, s1  }
0x8c: {  	s17 =	sshll.u32 s0, $0xA;
	s2 =	sadd.s32 s3, s2  }
0x8d: {  	s2 =	sadd.s32 s2, s17  }
0x8e: {  	[smem:$0x3FBC] =	sst s2  }
0x8f: {  	_ = 	snop  }
0x90: {  	s2 =	sld [smem:$0x3FD0];
	(tm) =	ssettm $0x1  }
0x91: {  	s18 =	sld [smem:$0x3FFB];
	_ =	sdelay $0x3  }
0x92: {  	_ =	strace s18  }
0x93: {  	s3 =	sld [smem:$0x3FFC];
	_ =	sdelay $0x3  }
0x94: {  	_ =	strace s3  }
0x95: {  	s3 =	sld [smem:$0x3FFD];
	_ =	sdelay $0x3  }
0x96: {  	_ =	strace s3  }
0x97: {  	_ =	strace $0x8FFFFFFF  }
0x98: {  	s19 =	sld [smem:$0x3FDB];
	_ =	sdelay $0x1  }
0x99: {  	s4 =	simm.s32 $_scs_section_size  }
0x9a: {  	s5 =	simm.s32 $_size__tile_overlayer_lowered;
	s6 =	simm.s32 $_tile_overlayer_lowered  }
0x9b: {  	s22 =	simm.s32 $0x1BFF;
	s21 =	sshll.u32 s6, $0x1;
	s3 =	sadd.s32 s4, s19  }
0x9c: {  	s7 =	simm.s32 $0x0;
	s20 =	sshll.u32 s5, $0x1;
	s5 =	sadd.s32 s21, s3  }
0x9d: {  	[timem:s7], [sflag:s22] =	dma.local [hbm:s5], s20  }
0x9e: {  	_ =	swait.ge [sflag:s22], s20  }
0x9f: {  	s4 =	ssub.s32 $0x0, s20;
	[sflag:s22] =	ssyncset.done $0x0  }
0xa0: {  	[sflag:s22] =	ssyncadd.s32 s4;
	_ =	sdelay $0x1  }
0xa1: {  	s23 =	simm.s32 $0x1B8B  }
0xa2: {  	_ =	swait.ge [sflag:s23], $0x1  }
0xa3: {  	[sflag:s23] =	ssyncset.done $0x0  }
0xa4: {  	s25 =	simm.s32 $0x1B8E;
	s24 =	sld [smem:$0x3FFE];
	[sflag:s23] =	ssyncadd.s32 $0xFFFFFFFF  }
0xa5: {  	s26 =	simm.s32 $execute0_lowered;
	[smem:$0x3FD2] =	sst s25  }
0xa6: {  	s5 =	sshll.u32 s26, $0x1;
	_ =	strace $0x80000046;
	[dreg:$0x1] =	wrdreg $0xFFFFFFFF  }
0xa7: {  	s28 =	simm.s32 $_size_execute0_lowered;
	s3 =	sadd.s32 s3, s5;
	[dreg:$0x0] =	wrdreg $0x0  }
0xa8: {  	s5 =	sshll.u32 s28, $0x1;
	[dreg:$0x2] =	wrdreg s3  }
0xa9: {  	[dreg:$0x3] =	wrdreg s5  }
0xaa: {  	[dreg:$0x4] =	wrdreg $0xC0  }
0xab: {  	_ =	task [dreg:s7], $0x5FFFF  }
0xac: {  	[dreg:$0x1] =	wrdreg $0xFFFFFFFF  }
0xad: {  	[dreg:$0x0] =	wrdreg $0x60  }
0xae: {  	[dreg:$0x2] =	wrdreg s24  }
0xaf: {  	[dreg:$0x3] =	wrdreg s2  }
0xb0: {  	[dreg:$0x4] =	wrdreg $0x9  }
0xb1: {  	_ =	task.clear_ibuf [dreg:s7], $0x5FFFF;
	_ =	strace $0x90000046  }
0xb2: {  	s29 =	simm.s32 $0x9;
	_ =	strace $0x80000048  }
0xb3: {  	_ =	swait.ge [sflag:s29], $0x1  }
0xb4: {  	[sflag:s29] =	ssyncadd.s32 $0xFFFFFFFF  }
0xb5: {  	_ =	strace $0x90000048  }
0xb6: {  	_ =	sfence  }
0xb7: {  	s30 =	sld [smem:$0x0];
	_ =	sdelay $0x2  }
0xb8: {  	s31 =	sshll.u32 s1, $0xD;
	s1 =	sshrl.u32 s1, $0x2  }
0xb9: {  	s3 =	sand.u32 $0x4000, s31;
	s1 =	sadd.s32 s1, s30  }
0xba: {  	s0 =	sor.u32 s3, s0;
	s1 =	sshll.u32 s1, $0x11  }
0xbb: {  	s0 =	sor.u32 s1, s0  }
0xbc: {  	s0 =	sadd.s32 $0x8F2B, s0  }
0xbd: {  	[sflag:s0] =	ssyncadd.remote.s32 $0x1  }
0xbe: {  	_ =	sfence.sel $0xFFFF  }
0xbf: {  	[dreg:$0x0] =	wrdreg $0xFFFFFFFF;
	(pc) =	sbr.abs _section_cstart, $3  }
0xc0: {  	[dreg:$0x1] =	wrdreg $0xFFFFFFFF  }
0xc1: {  	_ =	task.clear_ibuf [dreg:s7], $0x2FFFF;
	_ =	strace $0x9FFFFFFF  }
0xc2: {  	(tm) =	ssettm $0x7FFFFFFF  }
0xc3: {  	_ =	shalt  }
tec
execute0_lowered:
.L_overlay_start_1:
0x0: {  	(tag) =	ssettag $0x1  }
0x1: {  	s4 =	rddreg [dreg:$0x0]  }
0x2: {  	s5 =	rddreg [dreg:$0x1]  }
0x3: {  	s0 =	rddreg [dreg:$0x2];
	s2 =	simm.s32 $0x0;
	s3 =	srdreg.scid  }
0x4: {  	s1 =	stileid.u32;
	s10 =	simm.s32 $0x1080;
	s11 =	simm.s32 $0x1880  }
0x5: {  	s12 =	simm.s32 $0x2080;
	s13 =	simm.s32 $0x2880;
	s14 =	simm.s32 $0x3080  }
0x6: {  	s15 =	simm.s32 $0x3880;
	s16 =	simm.s32 $0x1;
	s6 =	sand.u32 $0x1, s3  }
0x7: {  	[smem:$0x7FF] =	sst s2;
	s7 =	sshll.u32 s1, $0x7;
	s8 =	sshll.u32 s6, $0x6  }
0x8: {  	s3 =	sadd.s32 $0x2000, s4;
	s6 =	ssub.s32 $0x2, s6;
	s7 =	sor.u32 s8, s7  }
0x9: {  	_ =	strace $0x80000047;
	s9 =	sshrl.u32 s6, $0x1;
	s8 =	sshll.u32 s7, $0x5  }
0xa: {  	v2 =	vlaneseq.u32;
	s7 =	sshrl.u32 s7, $0x3;
	s6 =	ssub.s32 s6, s9;
	s9 =	simm.s32 $0x880  }
0xb: {  	vm0 =	vmmov $0xffff;
	v1 =	vshrl.u32 v2, $0x3;
	s8 =	sadd.s32 s8, s4;
	s4 =	sadd.s32 s5, s7;
	s6 =	smax.u32 s6, $0x1  }
0xc: {  	v0 =	vand.u32 $0x7, v2;
	v2 =	vor.u32 $0x8, v2;
	v1 =	vmul.u32 $0x4, v1;
	s7 =	simm.s32 $0x2;
	s5 =	sadd.s32 $0x2200, s8;
	s8 =	simm.s32 $0x80  }
.LBB2_1:
0xd: {  	[tilespmem:s2], [sflag:$0x2] =	stream.linear.gather [hbm4b:s4+s2], $0x40, $0x38;
	[tilespmem:$0x4080] =	vst v63  }
0xe: {  	_ =	swait.ge [sflag:s7], $0x40  }
0xf: {  	[sflag:s7] =	ssyncset.done $0x0  }
0x10: {  	[sflag:s7] =	ssyncadd.s32 $0xFFFFFFC0  }
0x11: {  	v3 =	vld [tilespmem:$0x0];
	_ =	sdelay $0x4  }
0x12: {  	v4 =	vshll.u32 v3, $0x1  }
0x13: {  	v3 =	vand.u32 $0x3, v3;
	v4 =	vand.u32 $0xFFFFFFF8, v4  }
0x14: {  	v3 =	vor.u32 v3, v4  }
0x15: {  	v4 =	vperm.xlane v3, v0;
	_ =	sdelay $0x1  }
0x16: {  	v3 =	vperm.xlane v3, v2;
	v4 =	vadd.s32 v1, v4;
	_ =	sdelay $0x1  }
0x17: {  	v3 =	vadd.s32 v1, v3;
	_ =	sdelay $0x2  }
0x18: {  	[tilespmem:s8], [sflag:$0x1] =	stream.indirect_vreg.gather [hbm4b:s3+s2], $0x80, v4, vm0, $0xb8;
	[tilespmem:$0x4080] =	vst v63  }
0x19: {  	_ = 	snop  }
0x1a: {  	[tilespmem:s9], [sflag:$0x1] =	stream.indirect_vreg.gather [hbm4b:s3+s2], $0x80, v3, vm0, $0xb8;
	[tilespmem:$0x4080] =	vst v63  }
0x1b: {  	v3 =	vld [tilespmem:$0x10];
	_ =	sdelay $0x4  }
0x1c: {  	v61 =	vshll.u32 v3, $0x1  }
0x1d: {  	v3 =	vand.u32 $0x3, v3;
	v4 =	vand.u32 $0xFFFFFFF8, v61  }
0x1e: {  	v3 =	vor.u32 v3, v4  }
0x1f: {  	v4 =	vperm.xlane v3, v0;
	_ =	sdelay $0x1  }
0x20: {  	v3 =	vperm.xlane v3, v2;
	v4 =	vadd.s32 v1, v4;
	_ =	sdelay $0x1  }
0x21: {  	v3 =	vadd.s32 v1, v3;
	_ =	sdelay $0x2  }
0x22: {  	[tilespmem:s10], [sflag:$0x1] =	stream.indirect_vreg.gather [hbm4b:s3+s2], $0x80, v4, vm0, $0xb8;
	[tilespmem:$0x4080] =	vst v63  }
0x23: {  	_ = 	snop  }
0x24: {  	[tilespmem:s11], [sflag:$0x1] =	stream.indirect_vreg.gather [hbm4b:s3+s2], $0x80, v3, vm0, $0xb8;
	[tilespmem:$0x4080] =	vst v63  }
0x25: {  	v3 =	vld [tilespmem:$0x20];
	_ =	sdelay $0x4  }
0x26: {  	v62 =	vshll.u32 v3, $0x1  }
0x27: {  	v3 =	vand.u32 $0x3, v3;
	v4 =	vand.u32 $0xFFFFFFF8, v62  }
0x28: {  	v3 =	vor.u32 v3, v4  }
0x29: {  	v4 =	vperm.xlane v3, v0;
	_ =	sdelay $0x1  }
0x2a: {  	v3 =	vperm.xlane v3, v2;
	v4 =	vadd.s32 v1, v4;
	_ =	sdelay $0x1  }
0x2b: {  	v3 =	vadd.s32 v1, v3;
	_ =	sdelay $0x2  }
0x2c: {  	[tilespmem:s12], [sflag:$0x1] =	stream.indirect_vreg.gather [hbm4b:s3+s2], $0x80, v4, vm0, $0xb8;
	[tilespmem:$0x4080] =	vst v63  }
0x2d: {  	_ = 	snop  }
0x2e: {  	[tilespmem:s13], [sflag:$0x1] =	stream.indirect_vreg.gather [hbm4b:s3+s2], $0x80, v3, vm0, $0xb8;
	[tilespmem:$0x4080] =	vst v63  }
0x2f: {  	v3 =	vld [tilespmem:$0x30];
	_ =	sdelay $0x4  }
0x30: {  	v63 =	vshll.u32 v3, $0x1  }
0x31: {  	v3 =	vand.u32 $0x3, v3;
	v4 =	vand.u32 $0xFFFFFFF8, v63  }
0x32: {  	v3 =	vor.u32 v3, v4  }
0x33: {  	v4 =	vperm.xlane v3, v0;
	_ =	sdelay $0x1  }
0x34: {  	v3 =	vperm.xlane v3, v2;
	v4 =	vadd.s32 v1, v4;
	_ =	sdelay $0x1  }
0x35: {  	v3 =	vadd.s32 v1, v3;
	_ =	sdelay $0x2  }
0x36: {  	[tilespmem:s14], [sflag:$0x1] =	stream.indirect_vreg.gather [hbm4b:s3+s2], $0x80, v4, vm0, $0xb8;
	[tilespmem:$0x4080] =	vst v63  }
0x37: {  	_ = 	snop  }
0x38: {  	[tilespmem:s15], [sflag:$0x1] =	stream.indirect_vreg.gather [hbm4b:s3+s2], $0x80, v3, vm0, $0xb8;
	[tilespmem:$0x4080] =	vst v63  }
0x39: {  	_ =	swait.ge [sflag:s16], $0x4000  }
0x3a: {  	p0 =	sne.s32 s6, $0x1;
	[sflag:s16] =	ssyncset.done $0x0  }
.Ltmp0:
0x3b: {  	[sflag:s16] =	ssyncadd.s32 $0xFFFFC000;
	(pc) =	sbr.rel @p0 .LBB2_1-.Ltmp0, $4  }
0x3c: {  	[hbm4b:s5+s2] =	stream.linear.scatter [tilespmem:s8], [sflag:$0x2], $0x4000, $0x38;
	[tilespmem:$0x4080] =	vst v63  }
0x3d: {  	_ =	swait.ge [sflag:s7], $0x4000  }
0x3e: {  	[sflag:s7] =	ssyncset.done $0x0  }
0x3f: {  	s6 =	sadd.s32 $0xFFFFFFFF, s6;
	[sflag:s7] =	ssyncadd.s32 $0xFFFFC000  }
0x40: {  	_ =	sfence.sel $0x180000  }
0x41: {  	[bflag:$0x0] =	sbarrier.arrive $0xFFFF  }
0x42: {  	p0 =	sne.s32 s1, $0x0;
	_ =	strace $0x90000047  }
0x43: {  	s0 =	sadd.s32 @!p0 $0x100000, s0;
	[bflag:$0x2] =	sbarrier.arrive $0xFFFF  }
0x44: {  	[sflag:s0] =	ssyncadd.tile.s32 @!p0 $0x1;
	_ =	shalt  }
.Lfunc_end2:
_tile_overlayer_lowered:
.L_overlay_start_2:
0x45: {  	(tag) =	ssettag $0x2  }
0x46: {  	s0 =	rddreg [dreg:$0x0];
	s2 =	stileid.u32  }
0x47: {  	s1 =	rddreg [dreg:$0x1];
	p0 =	sne.s32 s2, $0x0  }
0x48: {  	s3 =	rddreg [dreg:$0x2];
	[bflag:$0x3] =	sbarrier.arrive $0xFFFF;
	s2 =	simm.s32 @!p0 $0x1C02  }
0x49: {  	[timem:s3], [sflag:s2] =	dma.local @!p0 [hbm:s0], s1  }
0x4a: {  	s0 =	simm.s32 @!p0 $0x2  }
0x4b: {  	_ =	swait.ge @!p0 [sflag:s0], s1  }
0x4c: {  	s1 =	ssub.s32 @!p0 $0x0, s1;
	[sflag:s0] =	ssyncset.done @!p0 $0x0  }
0x4d: {  	[sflag:s0] =	ssyncadd.s32 @!p0 s1  }
0x4e: {  	[bflag:$0x3] =	sbarrier.arrive $0xFFFF  }
0x4f: {  	_ =	shalt  }

</sc_bundles>
